<compile_context>
chip_gen: v7x
topology: tpu7x:2x2x1
jax: 0.10.2.dev20260603
libtpu: 0.0.44.dev20260713+nightly
codegen_flags: <defaults>
</compile_context>

<pallas_src>
import math

import jax
import jax.numpy as jnp
from jax import lax
from jax.experimental import pallas as pl
from jax.experimental.pallas import tpu as pltpu
from jax.experimental.pallas import tpu_sc as plsc
import numpy as np

_VOCAB = 1000000
_D = 64
_B = 1024
_S = 200
_SCALE = math.sqrt(_D)

_NC = 2
_NS = 16
_NW = _NC * _NS
_SEQ_PER_W = _B // _NW
_HALF = _S // 2


def _make_pe_np(d_model=_D, max_len=_S):
    position = np.arange(0, max_len, dtype=np.float32)[:, None]
    div_term = np.exp(
        np.arange(0, d_model, 2, dtype=np.float32) * -(math.log(10000.0) / d_model))
    pe = np.zeros((max_len, d_model), dtype=np.float32)
    pe[:, 0::2] = np.sin(position * div_term)
    pe[:, 1::2] = np.cos(position * div_term)
    return pe


_PE_NP = _make_pe_np()


_VC = 16384


def _tc_widen(tt):
    def body(tt_ref, out_ref):
        out_ref[:, 0:_D] = tt_ref[...].T

    grid = (_VOCAB + _VC - 1) // _VC
    return pl.pallas_call(
        body,
        grid=(grid,),
        in_specs=[pl.BlockSpec((_D, _VC), lambda i: (0, i))],
        out_specs=pl.BlockSpec((_VC, 2 * _D), lambda i: (i, 0)),
        out_shape=jax.ShapeDtypeStruct((_VOCAB, 2 * _D), jnp.float32),
    )(tt)


def _sc_embed(x2, pe, table):
    mesh = plsc.VectorSubcoreMesh(core_axis_name="c", subcore_axis_name="s")

    @pl.kernel(
        mesh=mesh,
        compiler_params=pltpu.CompilerParams(use_tc_tiling_on_sc=True),
        out_type=jax.ShapeDtypeStruct((_B * _S, _D), jnp.float32),
        scratch_types=[
            pltpu.VMEM((2 * _SEQ_PER_W, _HALF), jnp.int32),
            pltpu.VMEM((_S, _D), jnp.float32),
            pltpu.VMEM((_S, 2 * _D), jnp.float32),
            pltpu.VMEM((_S, 2 * _D), jnp.float32),
            pltpu.VMEM((_S, _D), jnp.float32),
            pltpu.SemaphoreType.DMA,
            pltpu.SemaphoreType.DMA,
        ],
    )
    def body(x_hbm, pe_hbm, table_hbm, out_hbm, idx_v, pe_v, buf0, buf1,
             res, sem0, sem1):
        tview = table_hbm
        wid = lax.axis_index("s") * _NC + lax.axis_index("c")
        seq0 = wid * _SEQ_PER_W

        pltpu.sync_copy(x_hbm.at[pl.ds(wid * 2 * _SEQ_PER_W, 2 * _SEQ_PER_W)],
                        idx_v)
        pltpu.sync_copy(pe_hbm, pe_v)

        bufs = (buf0, buf1)
        sems = (sem0, sem1)

        def start_gather(j, b):
            pltpu.async_copy(tview.at[idx_v.at[2 * j]],
                             bufs[b].at[pl.ds(0, _HALF)], sems[b])
            pltpu.async_copy(tview.at[idx_v.at[2 * j + 1]],
                             bufs[b].at[pl.ds(_HALF, _HALF)], sems[b])

        def wait_gather(j, b):
            pltpu.make_async_copy(tview.at[idx_v.at[2 * j]],
                                  bufs[b].at[pl.ds(0, _HALF)], sems[b]).wait()
            pltpu.make_async_copy(tview.at[idx_v.at[2 * j + 1]],
                                  bufs[b].at[pl.ds(_HALF, _HALF)],
                                  sems[b]).wait()

        start_gather(0, 0)
        start_gather(1, 1)

        def outer(it, carry):
            j0 = it * 2
            for b in range(2):
                j = j0 + b
                wait_gather(j, b)
                buf = bufs[b]

                @plsc.parallel_loop(0, _S, unroll=8)
                def _(i):
                    for k in range(_D // 16):
                        sl = (i, pl.ds(16 * k, 16))
                        res[sl] = buf[sl] * _SCALE + pe_v[sl]

                pltpu.sync_copy(res, out_hbm.at[pl.ds((seq0 + j) * _S, _S)])

                @pl.when(j + 2 < _SEQ_PER_W)
                def _():
                    start_gather(j + 2, b)
            return carry

        lax.fori_loop(0, _SEQ_PER_W // 2, outer, 0)

    return body(x2, pe, table)


def kernel(x, emb_table):
    x2 = x.astype(jnp.int32).reshape(_B * 2, _HALF)
    pe = jnp.asarray(_PE_NP)
    table128 = _tc_widen(emb_table.T)
    flat = _sc_embed(x2, pe, table128)
    return flat.reshape(_B, _S, _D)

# --- scband reference (transcript-rebuilt; emitter-appended) ---
"""Pipeline reference for scband-input-embedding-84997402788597 (READ-ONLY COPY).

The authoritative reference and input builder live on the scoring server;
editing this copy changes nothing except your own understanding.
"""

import math
import jax, jax.numpy as jnp
import numpy as np

VOCAB = 1000000
D_MODEL = 64
MAX_LEN = 512
BATCH = 1024
SEQ = 200


def _make_pe(d_model=D_MODEL, max_len=MAX_LEN):
    position = np.arange(0, max_len, dtype=np.float32)[:, None]
    div_term = np.exp(np.arange(0, d_model, 2, dtype=np.float32) * -(math.log(10000.0) / d_model))
    pe = np.zeros((max_len, d_model), dtype=np.float32)
    pe[:, 0::2] = np.sin(position * div_term)
    pe[:, 1::2] = np.cos(position * div_term)
    return jnp.asarray(pe[None, :, :])  # [1, max_len, d_model]

_PE = _make_pe()


def setup_inputs(seed: int = 0) -> dict:
    key = jax.random.key(seed)
    k1, k2 = jax.random.split(key)
    x = jax.random.randint(k1, (BATCH, SEQ), 0, VOCAB, dtype=jnp.int64 if jax.config.read('jax_enable_x64') else jnp.int32)
    # nn.Embedding default init: N(0, 1)
    emb_table = jax.random.normal(k2, (VOCAB, D_MODEL), dtype=jnp.float32)
    return {"x": x, "emb_table": emb_table}


def reference(x, emb_table):
    seq_len = x.shape[1]
    scale = math.sqrt(D_MODEL)
    token_emb = jnp.take(emb_table, x, axis=0) * scale  # [B, S, D]
    pos_emb = _PE[:, :seq_len, :]  # [1, S, D] (buffer, constant)
    # dropout p=0.0 -> identity
    return token_emb + pos_emb

if __name__ == "__main__":
    import jax
    _d = setup_inputs()
    print(jax.jit(kernel)(*tuple(_d.values())))

</pallas_src>

<mosaic_0001>
#map = affine_map<(d0, d1) -> (0, 0)>
module attributes {stable_mosaic.version = 14 : i64} {
  func.func @body(%arg0: i32, %arg1: i32, %arg2: memref<2048x100xi32, #tpu.memory_space<hbm>>, %arg3: memref<200x64xf32, #tpu.memory_space<hbm>>, %arg4: memref<1000000x128xf32, #tpu.memory_space<hbm>>, %arg5: memref<204800x64xf32, #tpu.memory_space<hbm>>, %arg6: memref<64x100xi32, #tpu.memory_space<vmem>>, %arg7: memref<200x64xf32, #tpu.memory_space<vmem>>, %arg8: memref<200x128xf32, #tpu.memory_space<vmem>>, %arg9: memref<200x128xf32, #tpu.memory_space<vmem>>, %arg10: memref<200x64xf32, #tpu.memory_space<vmem>>, %arg11: memref<!tpu.dma_semaphore, #tpu.memory_space<semaphore_mem>>, %arg12: memref<!tpu.dma_semaphore, #tpu.memory_space<semaphore_mem>>) attributes {dimension_semantics = [#tpu.dimension_semantics<core_parallel>, #tpu.dimension_semantics<subcore_parallel>], iteration_bounds = array<i64: 2, 16>, scalar_prefetch = 0 : i64, scratch_operands = 7 : i64, tpu.core_type = #tpu.core_type<sc_vector_subcore>, window_params = [{transform_indices = #map}, {transform_indices = #map}, {transform_indices = #map}, {transform_indices = #map}]} {
    %mul3A = arith.constant 2 : i32
    %mul3A_0 = arith.muli %arg1, %mul3A : i32
    %add3A = arith.addi %mul3A_0, %arg0 : i32
    %mul3A_1 = arith.constant 32 : i32
    %mul3A_2 = arith.muli %add3A, %mul3A_1 : i32
    %mul3A_3 = arith.constant 2 : i32
    %mul3A_4 = arith.muli %add3A, %mul3A_3 : i32
    %mul3A_5 = arith.constant 32 : i32
    %mul3A_6 = arith.muli %mul3A_4, %mul3A_5 : i32
    "tpu.region"() ({
      %run_scoped3A = tpu.sem_alloc : memref<!tpu.dma_semaphore, #tpu.memory_space<semaphore_mem>>
      %dma_start3A_51 = arith.constant 0 : i32
      %dma_start3A_52 = tpu.memref_slice %arg2[%mul3A_6, %dma_start3A_51] : memref<2048x100xi32, #tpu.memory_space<hbm>> -> memref<64x100xi32, #tpu.memory_space<hbm>>
      %dma_start3A_53 = arith.constant 0 : i32
      %dma_start3A_54 = tpu.memref_slice %arg2[%mul3A_6, %dma_start3A_53] : memref<2048x100xi32, #tpu.memory_space<hbm>> -> memref<64x100xi32, #tpu.memory_space<hbm>>
      tpu.enqueue_dma source(%dma_start3A_54 : memref<64x100xi32, #tpu.memory_space<hbm>>) target(%arg6 : memref<64x100xi32, #tpu.memory_space<vmem>>) target_semaphore(%run_scoped3A : memref<!tpu.dma_semaphore, #tpu.memory_space<semaphore_mem>>)
      %dma_wait3A = arith.constant 0 : i32
      %dma_wait3A_55 = tpu.memref_slice %arg2[%mul3A_6, %dma_wait3A] : memref<2048x100xi32, #tpu.memory_space<hbm>> -> memref<64x100xi32, #tpu.memory_space<hbm>>
      %dma_wait3A_56 = arith.constant 0 : i32
      %dma_wait3A_57 = tpu.memref_slice %arg2[%mul3A_6, %dma_wait3A_56] : memref<2048x100xi32, #tpu.memory_space<hbm>> -> memref<64x100xi32, #tpu.memory_space<hbm>>
      tpu.wait_dma2 semaphore(%run_scoped3A : memref<!tpu.dma_semaphore, #tpu.memory_space<semaphore_mem>>) src(%dma_wait3A_57 : memref<64x100xi32, #tpu.memory_space<hbm>>) dst(%arg6 : memref<64x100xi32, #tpu.memory_space<vmem>>)
      tpu.yield
    }) : () -> ()
    "tpu.region"() ({
      %run_scoped3A = tpu.sem_alloc : memref<!tpu.dma_semaphore, #tpu.memory_space<semaphore_mem>>
      tpu.enqueue_dma source(%arg3 : memref<200x64xf32, #tpu.memory_space<hbm>>) target(%arg7 : memref<200x64xf32, #tpu.memory_space<vmem>>) target_semaphore(%run_scoped3A : memref<!tpu.dma_semaphore, #tpu.memory_space<semaphore_mem>>)
      tpu.wait_dma2 semaphore(%run_scoped3A : memref<!tpu.dma_semaphore, #tpu.memory_space<semaphore_mem>>) src(%arg3 : memref<200x64xf32, #tpu.memory_space<hbm>>) dst(%arg7 : memref<200x64xf32, #tpu.memory_space<vmem>>)
      tpu.yield
    }) : () -> ()
    %dma_start3A = arith.constant 0 : i32
    %dma_start3A_7 = arith.constant 0 : i32
    %dma_start3A_8 = arith.constant 0 : i32
    %dma_start3A_9 = tpu.memref_slice %arg8[%dma_start3A_7, %dma_start3A_8] : memref<200x128xf32, #tpu.memory_space<vmem>> -> memref<100x128xf32, #tpu.memory_space<vmem>>
    %dma_start3A_10 = arith.constant 0 : i32
    %dma_start3A_11 = tpu.memref_slice %arg6[%dma_start3A, %dma_start3A_10] : memref<64x100xi32, #tpu.memory_space<vmem>> -> memref<1x100xi32, #tpu.memory_space<vmem>>
    %dma_start3A_12 = tpu.memref_squeeze %dma_start3A_11 : memref<1x100xi32, #tpu.memory_space<vmem>> -> memref<100xi32, #tpu.memory_space<vmem>>
    %dma_start3A_13 = arith.constant 0 : i32
    %dma_start3A_14 = arith.constant 0 : i32
    %dma_start3A_15 = tpu.memref_slice %arg4[%dma_start3A_13, %dma_start3A_14] : memref<1000000x128xf32, #tpu.memory_space<hbm>> -> memref<1000000x128xf32, #tpu.memory_space<hbm>>
    tpu.enqueue_indirect_dma source(%dma_start3A_15 : memref<1000000x128xf32, #tpu.memory_space<hbm>>) target(%dma_start3A_9 : memref<100x128xf32, #tpu.memory_space<vmem>>) offsets(%dma_start3A_12 : memref<100xi32, #tpu.memory_space<vmem>>) semaphore(%arg11 : memref<!tpu.dma_semaphore, #tpu.memory_space<semaphore_mem>>)
    %dma_start3A_16 = arith.constant 1 : i32
    %dma_start3A_17 = arith.constant 100 : i32
    %dma_start3A_18 = arith.constant 0 : i32
    %dma_start3A_19 = tpu.memref_slice %arg8[%dma_start3A_17, %dma_start3A_18] : memref<200x128xf32, #tpu.memory_space<vmem>> -> memref<100x128xf32, #tpu.memory_space<vmem>>
    %dma_start3A_20 = arith.constant 0 : i32
    %dma_start3A_21 = tpu.memref_slice %arg6[%dma_start3A_16, %dma_start3A_20] : memref<64x100xi32, #tpu.memory_space<vmem>> -> memref<1x100xi32, #tpu.memory_space<vmem>>
    %dma_start3A_22 = tpu.memref_squeeze %dma_start3A_21 : memref<1x100xi32, #tpu.memory_space<vmem>> -> memref<100xi32, #tpu.memory_space<vmem>>
    %dma_start3A_23 = arith.constant 0 : i32
    %dma_start3A_24 = arith.constant 0 : i32
    %dma_start3A_25 = tpu.memref_slice %arg4[%dma_start3A_23, %dma_start3A_24] : memref<1000000x128xf32, #tpu.memory_space<hbm>> -> memref<1000000x128xf32, #tpu.memory_space<hbm>>
    tpu.enqueue_indirect_dma source(%dma_start3A_25 : memref<1000000x128xf32, #tpu.memory_space<hbm>>) target(%dma_start3A_19 : memref<100x128xf32, #tpu.memory_space<vmem>>) offsets(%dma_start3A_22 : memref<100xi32, #tpu.memory_space<vmem>>) semaphore(%arg11 : memref<!tpu.dma_semaphore, #tpu.memory_space<semaphore_mem>>)
    %dma_start3A_26 = arith.constant 2 : i32
    %dma_start3A_27 = arith.constant 0 : i32
    %dma_start3A_28 = arith.constant 0 : i32
    %dma_start3A_29 = tpu.memref_slice %arg9[%dma_start3A_27, %dma_start3A_28] : memref<200x128xf32, #tpu.memory_space<vmem>> -> memref<100x128xf32, #tpu.memory_space<vmem>>
    %dma_start3A_30 = arith.constant 0 : i32
    %dma_start3A_31 = tpu.memref_slice %arg6[%dma_start3A_26, %dma_start3A_30] : memref<64x100xi32, #tpu.memory_space<vmem>> -> memref<1x100xi32, #tpu.memory_space<vmem>>
    %dma_start3A_32 = tpu.memref_squeeze %dma_start3A_31 : memref<1x100xi32, #tpu.memory_space<vmem>> -> memref<100xi32, #tpu.memory_space<vmem>>
    %dma_start3A_33 = arith.constant 0 : i32
    %dma_start3A_34 = arith.constant 0 : i32
    %dma_start3A_35 = tpu.memref_slice %arg4[%dma_start3A_33, %dma_start3A_34] : memref<1000000x128xf32, #tpu.memory_space<hbm>> -> memref<1000000x128xf32, #tpu.memory_space<hbm>>
    tpu.enqueue_indirect_dma source(%dma_start3A_35 : memref<1000000x128xf32, #tpu.memory_space<hbm>>) target(%dma_start3A_29 : memref<100x128xf32, #tpu.memory_space<vmem>>) offsets(%dma_start3A_32 : memref<100xi32, #tpu.memory_space<vmem>>) semaphore(%arg12 : memref<!tpu.dma_semaphore, #tpu.memory_space<semaphore_mem>>)
    %dma_start3A_36 = arith.constant 3 : i32
    %dma_start3A_37 = arith.constant 100 : i32
    %dma_start3A_38 = arith.constant 0 : i32
    %dma_start3A_39 = tpu.memref_slice %arg9[%dma_start3A_37, %dma_start3A_38] : memref<200x128xf32, #tpu.memory_space<vmem>> -> memref<100x128xf32, #tpu.memory_space<vmem>>
    %dma_start3A_40 = arith.constant 0 : i32
    %dma_start3A_41 = tpu.memref_slice %arg6[%dma_start3A_36, %dma_start3A_40] : memref<64x100xi32, #tpu.memory_space<vmem>> -> memref<1x100xi32, #tpu.memory_space<vmem>>
    %dma_start3A_42 = tpu.memref_squeeze %dma_start3A_41 : memref<1x100xi32, #tpu.memory_space<vmem>> -> memref<100xi32, #tpu.memory_space<vmem>>
    %dma_start3A_43 = arith.constant 0 : i32
    %dma_start3A_44 = arith.constant 0 : i32
    %dma_start3A_45 = tpu.memref_slice %arg4[%dma_start3A_43, %dma_start3A_44] : memref<1000000x128xf32, #tpu.memory_space<hbm>> -> memref<1000000x128xf32, #tpu.memory_space<hbm>>
    tpu.enqueue_indirect_dma source(%dma_start3A_45 : memref<1000000x128xf32, #tpu.memory_space<hbm>>) target(%dma_start3A_39 : memref<100x128xf32, #tpu.memory_space<vmem>>) offsets(%dma_start3A_42 : memref<100xi32, #tpu.memory_space<vmem>>) semaphore(%arg12 : memref<!tpu.dma_semaphore, #tpu.memory_space<semaphore_mem>>)
    %scan3A = arith.constant 0 : i32
    %scan3A_46 = arith.constant 0 : i32
    %scan3A_47 = arith.constant 16 : i32
    %scan3A_48 = arith.addi %scan3A_46, %scan3A_47 : i32
    %scan3A_49 = arith.constant 1 : i32
    scf.for %scan3A_51 = %scan3A_46 to %scan3A_48 step %scan3A_49  : i32 {
      %mul3A_52 = arith.constant 2 : i32
      %mul3A_53 = arith.muli %scan3A_51, %mul3A_52 : i32
      %add3A_54 = arith.constant 0 : i32
      %add3A_55 = arith.addi %mul3A_53, %add3A_54 : i32
      %mul3A_56 = arith.constant 2 : i32
      %mul3A_57 = arith.muli %mul3A_56, %add3A_55 : i32
      %dma_wait3A = arith.constant 0 : i32
      %dma_wait3A_58 = arith.constant 0 : i32
      %dma_wait3A_59 = tpu.memref_slice %arg8[%dma_wait3A, %dma_wait3A_58] : memref<200x128xf32, #tpu.memory_space<vmem>> -> memref<100x128xf32, #tpu.memory_space<vmem>>
      %dma_wait3A_60 = arith.constant 0 : i32
      %dma_wait3A_61 = tpu.memref_slice %arg6[%mul3A_57, %dma_wait3A_60] : memref<64x100xi32, #tpu.memory_space<vmem>> -> memref<1x100xi32, #tpu.memory_space<vmem>>
      %dma_wait3A_62 = tpu.memref_squeeze %dma_wait3A_61 : memref<1x100xi32, #tpu.memory_space<vmem>> -> memref<100xi32, #tpu.memory_space<vmem>>
      %dma_wait3A_63 = arith.constant 0 : i32
      %dma_wait3A_64 = arith.constant 0 : i32
      %dma_wait3A_65 = tpu.memref_slice %arg4[%dma_wait3A_63, %dma_wait3A_64] : memref<1000000x128xf32, #tpu.memory_space<hbm>> -> memref<1000000x128xf32, #tpu.memory_space<hbm>>
      tpu.wait_indirect_dma semaphore(%arg11 : memref<!tpu.dma_semaphore, #tpu.memory_space<semaphore_mem>>) src(%dma_wait3A_65 : memref<1000000x128xf32, #tpu.memory_space<hbm>>) dst(%dma_wait3A_59 : memref<100x128xf32, #tpu.memory_space<vmem>>)
      %mul3A_66 = arith.constant 2 : i32
      %mul3A_67 = arith.muli %mul3A_66, %add3A_55 : i32
      %add3A_68 = arith.constant 1 : i32
      %add3A_69 = arith.addi %mul3A_67, %add3A_68 : i32
      %dma_wait3A_70 = arith.constant 100 : i32
      %dma_wait3A_71 = arith.constant 0 : i32
      %dma_wait3A_72 = tpu.memref_slice %arg8[%dma_wait3A_70, %dma_wait3A_71] : memref<200x128xf32, #tpu.memory_space<vmem>> -> memref<100x128xf32, #tpu.memory_space<vmem>>
      %dma_wait3A_73 = arith.constant 0 : i32
      %dma_wait3A_74 = tpu.memref_slice %arg6[%add3A_69, %dma_wait3A_73] : memref<64x100xi32, #tpu.memory_space<vmem>> -> memref<1x100xi32, #tpu.memory_space<vmem>>
      %dma_wait3A_75 = tpu.memref_squeeze %dma_wait3A_74 : memref<1x100xi32, #tpu.memory_space<vmem>> -> memref<100xi32, #tpu.memory_space<vmem>>
      %dma_wait3A_76 = arith.constant 0 : i32
      %dma_wait3A_77 = arith.constant 0 : i32
      %dma_wait3A_78 = tpu.memref_slice %arg4[%dma_wait3A_76, %dma_wait3A_77] : memref<1000000x128xf32, #tpu.memory_space<hbm>> -> memref<1000000x128xf32, #tpu.memory_space<hbm>>
      tpu.wait_indirect_dma semaphore(%arg11 : memref<!tpu.dma_semaphore, #tpu.memory_space<semaphore_mem>>) src(%dma_wait3A_78 : memref<1000000x128xf32, #tpu.memory_space<hbm>>) dst(%dma_wait3A_72 : memref<100x128xf32, #tpu.memory_space<vmem>>)
      %parallel_loop3A = arith.constant 0 : i32
      %parallel_loop3A_79 = arith.constant 200 : i32
      %parallel_loop3A_80 = arith.constant 1 : i32
      scf.for %parallel_loop3A_127 = %parallel_loop3A to %parallel_loop3A_79 step %parallel_loop3A_80  : i32 {
        %parallel_loop3A_128 = arith.index_cast %parallel_loop3A_127 : i32 to index
        %parallel_loop3A_129 = arith.constant 0 : index
        %parallel_loop3A_130 = tpu.vector_load %arg8[%parallel_loop3A_128, %parallel_loop3A_129] {strides = array<i32>} : memref<200x128xf32, #tpu.memory_space<vmem>>, vector<1x16xf32>,
        %parallel_loop3A_131 = vector.shape_cast %parallel_loop3A_130 : vector<1x16xf32> to vector<16xf32>
        %parallel_loop3A_132 = arith.constant 8.000000e+00 : f32
        %parallel_loop3A_133 = vector.broadcast %parallel_loop3A_132 : f32 to vector<16xf32>
        %parallel_loop3A_134 = arith.mulf %parallel_loop3A_131, %parallel_loop3A_133 : vector<16xf32>
        %parallel_loop3A_135 = arith.index_cast %parallel_loop3A_127 : i32 to index
        %parallel_loop3A_136 = arith.constant 0 : index
        %parallel_loop3A_137 = tpu.vector_load %arg7[%parallel_loop3A_135, %parallel_loop3A_136] {strides = array<i32>} : memref<200x64xf32, #tpu.memory_space<vmem>>, vector<1x16xf32>,
        %parallel_loop3A_138 = vector.shape_cast %parallel_loop3A_137 : vector<1x16xf32> to vector<16xf32>
        %parallel_loop3A_139 = arith.addf %parallel_loop3A_134, %parallel_loop3A_138 : vector<16xf32>
        %parallel_loop3A_140 = arith.index_cast %parallel_loop3A_127 : i32 to index
        %parallel_loop3A_141 = arith.constant 0 : index
        %parallel_loop3A_142 = tpu.vector_load %arg10[%parallel_loop3A_140, %parallel_loop3A_141] {strides = array<i32>} : memref<200x64xf32, #tpu.memory_space<vmem>>, vector<1x16xf32>,
        %parallel_loop3A_143 = vector.shape_cast %parallel_loop3A_142 : vector<1x16xf32> to vector<16xf32>
        %parallel_loop3A_144 = vector.shape_cast %parallel_loop3A_139 : vector<16xf32> to vector<1x16xf32>
        tpu.vector_store %arg10[%parallel_loop3A_140, %parallel_loop3A_141], %parallel_loop3A_144 {strides = array<i32>} : memref<200x64xf32, #tpu.memory_space<vmem>>, vector<1x16xf32>,
        %parallel_loop3A_145 = arith.index_cast %parallel_loop3A_127 : i32 to index
        %parallel_loop3A_146 = arith.constant 16 : index
        %parallel_loop3A_147 = tpu.vector_load %arg8[%parallel_loop3A_145, %parallel_loop3A_146] {strides = array<i32>} : memref<200x128xf32, #tpu.memory_space<vmem>>, vector<1x16xf32>,
        %parallel_loop3A_148 = vector.shape_cast %parallel_loop3A_147 : vector<1x16xf32> to vector<16xf32>
        %parallel_loop3A_149 = arith.constant 8.000000e+00 : f32
        %parallel_loop3A_150 = vector.broadcast %parallel_loop3A_149 : f32 to vector<16xf32>
        %parallel_loop3A_151 = arith.mulf %parallel_loop3A_148, %parallel_loop3A_150 : vector<16xf32>
        %parallel_loop3A_152 = arith.index_cast %parallel_loop3A_127 : i32 to index
        %parallel_loop3A_153 = arith.constant 16 : index
        %parallel_loop3A_154 = tpu.vector_load %arg7[%parallel_loop3A_152, %parallel_loop3A_153] {strides = array<i32>} : memref<200x64xf32, #tpu.memory_space<vmem>>, vector<1x16xf32>,
        %parallel_loop3A_155 = vector.shape_cast %parallel_loop3A_154 : vector<1x16xf32> to vector<16xf32>
        %parallel_loop3A_156 = arith.addf %parallel_loop3A_151, %parallel_loop3A_155 : vector<16xf32>
        %parallel_loop3A_157 = arith.index_cast %parallel_loop3A_127 : i32 to index
        %parallel_loop3A_158 = arith.constant 16 : index
        %parallel_loop3A_159 = tpu.vector_load %arg10[%parallel_loop3A_157, %parallel_loop3A_158] {strides = array<i32>} : memref<200x64xf32, #tpu.memory_space<vmem>>, vector<1x16xf32>,
        %parallel_loop3A_160 = vector.shape_cast %parallel_loop3A_159 : vector<1x16xf32> to vector<16xf32>
        %parallel_loop3A_161 = vector.shape_cast %parallel_loop3A_156 : vector<16xf32> to vector<1x16xf32>
        tpu.vector_store %arg10[%parallel_loop3A_157, %parallel_loop3A_158], %parallel_loop3A_161 {strides = array<i32>} : memref<200x64xf32, #tpu.memory_space<vmem>>, vector<1x16xf32>,
        %parallel_loop3A_162 = arith.index_cast %parallel_loop3A_127 : i32 to index
        %parallel_loop3A_163 = arith.constant 32 : index
        %parallel_loop3A_164 = tpu.vector_load %arg8[%parallel_loop3A_162, %parallel_loop3A_163] {strides = array<i32>} : memref<200x128xf32, #tpu.memory_space<vmem>>, vector<1x16xf32>,
        %parallel_loop3A_165 = vector.shape_cast %parallel_loop3A_164 : vector<1x16xf32> to vector<16xf32>
        %parallel_loop3A_166 = arith.constant 8.000000e+00 : f32
        %parallel_loop3A_167 = vector.broadcast %parallel_loop3A_166 : f32 to vector<16xf32>
        %parallel_loop3A_168 = arith.mulf %parallel_loop3A_165, %parallel_loop3A_167 : vector<16xf32>
        %parallel_loop3A_169 = arith.index_cast %parallel_loop3A_127 : i32 to index
        %parallel_loop3A_170 = arith.constant 32 : index
        %parallel_loop3A_171 = tpu.vector_load %arg7[%parallel_loop3A_169, %parallel_loop3A_170] {strides = array<i32>} : memref<200x64xf32, #tpu.memory_space<vmem>>, vector<1x16xf32>,
        %parallel_loop3A_172 = vector.shape_cast %parallel_loop3A_171 : vector<1x16xf32> to vector<16xf32>
        %parallel_loop3A_173 = arith.addf %parallel_loop3A_168, %parallel_loop3A_172 : vector<16xf32>
        %parallel_loop3A_174 = arith.index_cast %parallel_loop3A_127 : i32 to index
        %parallel_loop3A_175 = arith.constant 32 : index
        %parallel_loop3A_176 = tpu.vector_load %arg10[%parallel_loop3A_174, %parallel_loop3A_175] {strides = array<i32>} : memref<200x64xf32, #tpu.memory_space<vmem>>, vector<1x16xf32>,
        %parallel_loop3A_177 = vector.shape_cast %parallel_loop3A_176 : vector<1x16xf32> to vector<16xf32>
        %parallel_loop3A_178 = vector.shape_cast %parallel_loop3A_173 : vector<16xf32> to vector<1x16xf32>
        tpu.vector_store %arg10[%parallel_loop3A_174, %parallel_loop3A_175], %parallel_loop3A_178 {strides = array<i32>} : memref<200x64xf32, #tpu.memory_space<vmem>>, vector<1x16xf32>,
        %parallel_loop3A_179 = arith.index_cast %parallel_loop3A_127 : i32 to index
        %parallel_loop3A_180 = arith.constant 48 : index
        %parallel_loop3A_181 = tpu.vector_load %arg8[%parallel_loop3A_179, %parallel_loop3A_180] {strides = array<i32>} : memref<200x128xf32, #tpu.memory_space<vmem>>, vector<1x16xf32>,
        %parallel_loop3A_182 = vector.shape_cast %parallel_loop3A_181 : vector<1x16xf32> to vector<16xf32>
        %parallel_loop3A_183 = arith.constant 8.000000e+00 : f32
        %parallel_loop3A_184 = vector.broadcast %parallel_loop3A_183 : f32 to vector<16xf32>
        %parallel_loop3A_185 = arith.mulf %parallel_loop3A_182, %parallel_loop3A_184 : vector<16xf32>
        %parallel_loop3A_186 = arith.index_cast %parallel_loop3A_127 : i32 to index
        %parallel_loop3A_187 = arith.constant 48 : index
        %parallel_loop3A_188 = tpu.vector_load %arg7[%parallel_loop3A_186, %parallel_loop3A_187] {strides = array<i32>} : memref<200x64xf32, #tpu.memory_space<vmem>>, vector<1x16xf32>,
        %parallel_loop3A_189 = vector.shape_cast %parallel_loop3A_188 : vector<1x16xf32> to vector<16xf32>
        %parallel_loop3A_190 = arith.addf %parallel_loop3A_185, %parallel_loop3A_189 : vector<16xf32>
        %parallel_loop3A_191 = arith.index_cast %parallel_loop3A_127 : i32 to index
        %parallel_loop3A_192 = arith.constant 48 : index
        %parallel_loop3A_193 = tpu.vector_load %arg10[%parallel_loop3A_191, %parallel_loop3A_192] {strides = array<i32>} : memref<200x64xf32, #tpu.memory_space<vmem>>, vector<1x16xf32>,
        %parallel_loop3A_194 = vector.shape_cast %parallel_loop3A_193 : vector<1x16xf32> to vector<16xf32>
        %parallel_loop3A_195 = vector.shape_cast %parallel_loop3A_190 : vector<16xf32> to vector<1x16xf32>
        tpu.vector_store %arg10[%parallel_loop3A_191, %parallel_loop3A_192], %parallel_loop3A_195 {strides = array<i32>} : memref<200x64xf32, #tpu.memory_space<vmem>>, vector<1x16xf32>,
      } {sc.loop_unroll_factor = 8 : i64, sc.parallel_access}
      %add3A_81 = arith.addi %mul3A_2, %add3A_55 : i32
      %mul3A_82 = arith.constant 200 : i32
      %mul3A_83 = arith.muli %add3A_81, %mul3A_82 : i32
      "tpu.region"() ({
        %run_scoped3A = tpu.sem_alloc : memref<!tpu.dma_semaphore, #tpu.memory_space<semaphore_mem>>
        %dma_start3A_127 = arith.constant 0 : i32
        %dma_start3A_128 = tpu.memref_slice %arg5[%mul3A_83, %dma_start3A_127] : memref<204800x64xf32, #tpu.memory_space<hbm>> -> memref<200x64xf32, #tpu.memory_space<hbm>>
        %dma_start3A_129 = arith.constant 0 : i32
        %dma_start3A_130 = tpu.memref_slice %arg5[%mul3A_83, %dma_start3A_129] : memref<204800x64xf32, #tpu.memory_space<hbm>> -> memref<200x64xf32, #tpu.memory_space<hbm>>
        tpu.enqueue_dma source(%arg10 : memref<200x64xf32, #tpu.memory_space<vmem>>) target(%dma_start3A_130 : memref<200x64xf32, #tpu.memory_space<hbm>>) target_semaphore(%run_scoped3A : memref<!tpu.dma_semaphore, #tpu.memory_space<semaphore_mem>>)
        %dma_wait3A_131 = arith.constant 0 : i32
        %dma_wait3A_132 = tpu.memref_slice %arg5[%mul3A_83, %dma_wait3A_131] : memref<204800x64xf32, #tpu.memory_space<hbm>> -> memref<200x64xf32, #tpu.memory_space<hbm>>
        %dma_wait3A_133 = arith.constant 0 : i32
        %dma_wait3A_134 = tpu.memref_slice %arg5[%mul3A_83, %dma_wait3A_133] : memref<204800x64xf32, #tpu.memory_space<hbm>> -> memref<200x64xf32, #tpu.memory_space<hbm>>
        tpu.wait_dma2 semaphore(%run_scoped3A : memref<!tpu.dma_semaphore, #tpu.memory_space<semaphore_mem>>) src(%arg10 : memref<200x64xf32, #tpu.memory_space<vmem>>) dst(%dma_wait3A_134 : memref<200x64xf32, #tpu.memory_space<hbm>>)
        tpu.yield
      }) : () -> ()
      %add3A_84 = arith.constant 2 : i32
      %add3A_85 = arith.addi %add3A_55, %add3A_84 : i32
      %lt3A = arith.constant 32 : i32
      %lt3A_86 = arith.cmpi slt, %add3A_85, %lt3A : i32
      %convert_element_type3A = arith.extui %lt3A_86 : i1 to i32
      %cond3A = arith.constant 0 : i32
      %cond3A_87 = arith.cmpi ne, %convert_element_type3A, %cond3A : i32
      scf.if %cond3A_87 {
        %add3A_127 = arith.constant 2 : i32
        %add3A_128 = arith.addi %add3A_55, %add3A_127 : i32
        %mul3A_129 = arith.constant 2 : i32
        %mul3A_130 = arith.muli %mul3A_129, %add3A_128 : i32
        %dma_start3A_131 = arith.constant 0 : i32
        %dma_start3A_132 = arith.constant 0 : i32
        %dma_start3A_133 = tpu.memref_slice %arg8[%dma_start3A_131, %dma_start3A_132] : memref<200x128xf32, #tpu.memory_space<vmem>> -> memref<100x128xf32, #tpu.memory_space<vmem>>
        %dma_start3A_134 = arith.constant 0 : i32
        %dma_start3A_135 = tpu.memref_slice %arg6[%mul3A_130, %dma_start3A_134] : memref<64x100xi32, #tpu.memory_space<vmem>> -> memref<1x100xi32, #tpu.memory_space<vmem>>
        %dma_start3A_136 = tpu.memref_squeeze %dma_start3A_135 : memref<1x100xi32, #tpu.memory_space<vmem>> -> memref<100xi32, #tpu.memory_space<vmem>>
        %dma_start3A_137 = arith.constant 0 : i32
        %dma_start3A_138 = arith.constant 0 : i32
        %dma_start3A_139 = tpu.memref_slice %arg4[%dma_start3A_137, %dma_start3A_138] : memref<1000000x128xf32, #tpu.memory_space<hbm>> -> memref<1000000x128xf32, #tpu.memory_space<hbm>>
        tpu.enqueue_indirect_dma source(%dma_start3A_139 : memref<1000000x128xf32, #tpu.memory_space<hbm>>) target(%dma_start3A_133 : memref<100x128xf32, #tpu.memory_space<vmem>>) offsets(%dma_start3A_136 : memref<100xi32, #tpu.memory_space<vmem>>) semaphore(%arg11 : memref<!tpu.dma_semaphore, #tpu.memory_space<semaphore_mem>>)
        %mul3A_140 = arith.constant 2 : i32
        %mul3A_141 = arith.muli %mul3A_140, %add3A_128 : i32
        %add3A_142 = arith.constant 1 : i32
        %add3A_143 = arith.addi %mul3A_141, %add3A_142 : i32
        %dma_start3A_144 = arith.constant 100 : i32
        %dma_start3A_145 = arith.constant 0 : i32
        %dma_start3A_146 = tpu.memref_slice %arg8[%dma_start3A_144, %dma_start3A_145] : memref<200x128xf32, #tpu.memory_space<vmem>> -> memref<100x128xf32, #tpu.memory_space<vmem>>
        %dma_start3A_147 = arith.constant 0 : i32
        %dma_start3A_148 = tpu.memref_slice %arg6[%add3A_143, %dma_start3A_147] : memref<64x100xi32, #tpu.memory_space<vmem>> -> memref<1x100xi32, #tpu.memory_space<vmem>>
        %dma_start3A_149 = tpu.memref_squeeze %dma_start3A_148 : memref<1x100xi32, #tpu.memory_space<vmem>> -> memref<100xi32, #tpu.memory_space<vmem>>
        %dma_start3A_150 = arith.constant 0 : i32
        %dma_start3A_151 = arith.constant 0 : i32
        %dma_start3A_152 = tpu.memref_slice %arg4[%dma_start3A_150, %dma_start3A_151] : memref<1000000x128xf32, #tpu.memory_space<hbm>> -> memref<1000000x128xf32, #tpu.memory_space<hbm>>
        tpu.enqueue_indirect_dma source(%dma_start3A_152 : memref<1000000x128xf32, #tpu.memory_space<hbm>>) target(%dma_start3A_146 : memref<100x128xf32, #tpu.memory_space<vmem>>) offsets(%dma_start3A_149 : memref<100xi32, #tpu.memory_space<vmem>>) semaphore(%arg11 : memref<!tpu.dma_semaphore, #tpu.memory_space<semaphore_mem>>)
      } else {
      }
      %add3A_88 = arith.constant 1 : i32
      %add3A_89 = arith.addi %mul3A_53, %add3A_88 : i32
      %mul3A_90 = arith.constant 2 : i32
      %mul3A_91 = arith.muli %mul3A_90, %add3A_89 : i32
      %dma_wait3A_92 = arith.constant 0 : i32
      %dma_wait3A_93 = arith.constant 0 : i32
      %dma_wait3A_94 = tpu.memref_slice %arg9[%dma_wait3A_92, %dma_wait3A_93] : memref<200x128xf32, #tpu.memory_space<vmem>> -> memref<100x128xf32, #tpu.memory_space<vmem>>
      %dma_wait3A_95 = arith.constant 0 : i32
      %dma_wait3A_96 = tpu.memref_slice %arg6[%mul3A_91, %dma_wait3A_95] : memref<64x100xi32, #tpu.memory_space<vmem>> -> memref<1x100xi32, #tpu.memory_space<vmem>>
      %dma_wait3A_97 = tpu.memref_squeeze %dma_wait3A_96 : memref<1x100xi32, #tpu.memory_space<vmem>> -> memref<100xi32, #tpu.memory_space<vmem>>
      %dma_wait3A_98 = arith.constant 0 : i32
      %dma_wait3A_99 = arith.constant 0 : i32
      %dma_wait3A_100 = tpu.memref_slice %arg4[%dma_wait3A_98, %dma_wait3A_99] : memref<1000000x128xf32, #tpu.memory_space<hbm>> -> memref<1000000x128xf32, #tpu.memory_space<hbm>>
      tpu.wait_indirect_dma semaphore(%arg12 : memref<!tpu.dma_semaphore, #tpu.memory_space<semaphore_mem>>) src(%dma_wait3A_100 : memref<1000000x128xf32, #tpu.memory_space<hbm>>) dst(%dma_wait3A_94 : memref<100x128xf32, #tpu.memory_space<vmem>>)
      %mul3A_101 = arith.constant 2 : i32
      %mul3A_102 = arith.muli %mul3A_101, %add3A_89 : i32
      %add3A_103 = arith.constant 1 : i32
      %add3A_104 = arith.addi %mul3A_102, %add3A_103 : i32
      %dma_wait3A_105 = arith.constant 100 : i32
      %dma_wait3A_106 = arith.constant 0 : i32
      %dma_wait3A_107 = tpu.memref_slice %arg9[%dma_wait3A_105, %dma_wait3A_106] : memref<200x128xf32, #tpu.memory_space<vmem>> -> memref<100x128xf32, #tpu.memory_space<vmem>>
      %dma_wait3A_108 = arith.constant 0 : i32
      %dma_wait3A_109 = tpu.memref_slice %arg6[%add3A_104, %dma_wait3A_108] : memref<64x100xi32, #tpu.memory_space<vmem>> -> memref<1x100xi32, #tpu.memory_space<vmem>>
      %dma_wait3A_110 = tpu.memref_squeeze %dma_wait3A_109 : memref<1x100xi32, #tpu.memory_space<vmem>> -> memref<100xi32, #tpu.memory_space<vmem>>
      %dma_wait3A_111 = arith.constant 0 : i32
      %dma_wait3A_112 = arith.constant 0 : i32
      %dma_wait3A_113 = tpu.memref_slice %arg4[%dma_wait3A_111, %dma_wait3A_112] : memref<1000000x128xf32, #tpu.memory_space<hbm>> -> memref<1000000x128xf32, #tpu.memory_space<hbm>>
      tpu.wait_indirect_dma semaphore(%arg12 : memref<!tpu.dma_semaphore, #tpu.memory_space<semaphore_mem>>) src(%dma_wait3A_113 : memref<1000000x128xf32, #tpu.memory_space<hbm>>) dst(%dma_wait3A_107 : memref<100x128xf32, #tpu.memory_space<vmem>>)
      %parallel_loop3A_114 = arith.constant 0 : i32
      %parallel_loop3A_115 = arith.constant 200 : i32
      %parallel_loop3A_116 = arith.constant 1 : i32
      scf.for %parallel_loop3A_127 = %parallel_loop3A_114 to %parallel_loop3A_115 step %parallel_loop3A_116  : i32 {
        %parallel_loop3A_128 = arith.index_cast %parallel_loop3A_127 : i32 to index
        %parallel_loop3A_129 = arith.constant 0 : index
        %parallel_loop3A_130 = tpu.vector_load %arg9[%parallel_loop3A_128, %parallel_loop3A_129] {strides = array<i32>} : memref<200x128xf32, #tpu.memory_space<vmem>>, vector<1x16xf32>,
        %parallel_loop3A_131 = vector.shape_cast %parallel_loop3A_130 : vector<1x16xf32> to vector<16xf32>
        %parallel_loop3A_132 = arith.constant 8.000000e+00 : f32
        %parallel_loop3A_133 = vector.broadcast %parallel_loop3A_132 : f32 to vector<16xf32>
        %parallel_loop3A_134 = arith.mulf %parallel_loop3A_131, %parallel_loop3A_133 : vector<16xf32>
        %parallel_loop3A_135 = arith.index_cast %parallel_loop3A_127 : i32 to index
        %parallel_loop3A_136 = arith.constant 0 : index
        %parallel_loop3A_137 = tpu.vector_load %arg7[%parallel_loop3A_135, %parallel_loop3A_136] {strides = array<i32>} : memref<200x64xf32, #tpu.memory_space<vmem>>, vector<1x16xf32>,
        %parallel_loop3A_138 = vector.shape_cast %parallel_loop3A_137 : vector<1x16xf32> to vector<16xf32>
        %parallel_loop3A_139 = arith.addf %parallel_loop3A_134, %parallel_loop3A_138 : vector<16xf32>
        %parallel_loop3A_140 = arith.index_cast %parallel_loop3A_127 : i32 to index
        %parallel_loop3A_141 = arith.constant 0 : index
        %parallel_loop3A_142 = tpu.vector_load %arg10[%parallel_loop3A_140, %parallel_loop3A_141] {strides = array<i32>} : memref<200x64xf32, #tpu.memory_space<vmem>>, vector<1x16xf32>,
        %parallel_loop3A_143 = vector.shape_cast %parallel_loop3A_142 : vector<1x16xf32> to vector<16xf32>
        %parallel_loop3A_144 = vector.shape_cast %parallel_loop3A_139 : vector<16xf32> to vector<1x16xf32>
        tpu.vector_store %arg10[%parallel_loop3A_140, %parallel_loop3A_141], %parallel_loop3A_144 {strides = array<i32>} : memref<200x64xf32, #tpu.memory_space<vmem>>, vector<1x16xf32>,
        %parallel_loop3A_145 = arith.index_cast %parallel_loop3A_127 : i32 to index
        %parallel_loop3A_146 = arith.constant 16 : index
        %parallel_loop3A_147 = tpu.vector_load %arg9[%parallel_loop3A_145, %parallel_loop3A_146] {strides = array<i32>} : memref<200x128xf32, #tpu.memory_space<vmem>>, vector<1x16xf32>,
        %parallel_loop3A_148 = vector.shape_cast %parallel_loop3A_147 : vector<1x16xf32> to vector<16xf32>
        %parallel_loop3A_149 = arith.constant 8.000000e+00 : f32
        %parallel_loop3A_150 = vector.broadcast %parallel_loop3A_149 : f32 to vector<16xf32>
        %parallel_loop3A_151 = arith.mulf %parallel_loop3A_148, %parallel_loop3A_150 : vector<16xf32>
        %parallel_loop3A_152 = arith.index_cast %parallel_loop3A_127 : i32 to index
        %parallel_loop3A_153 = arith.constant 16 : index
        %parallel_loop3A_154 = tpu.vector_load %arg7[%parallel_loop3A_152, %parallel_loop3A_153] {strides = array<i32>} : memref<200x64xf32, #tpu.memory_space<vmem>>, vector<1x16xf32>,
        %parallel_loop3A_155 = vector.shape_cast %parallel_loop3A_154 : vector<1x16xf32> to vector<16xf32>
        %parallel_loop3A_156 = arith.addf %parallel_loop3A_151, %parallel_loop3A_155 : vector<16xf32>
        %parallel_loop3A_157 = arith.index_cast %parallel_loop3A_127 : i32 to index
        %parallel_loop3A_158 = arith.constant 16 : index
        %parallel_loop3A_159 = tpu.vector_load %arg10[%parallel_loop3A_157, %parallel_loop3A_158] {strides = array<i32>} : memref<200x64xf32, #tpu.memory_space<vmem>>, vector<1x16xf32>,
        %parallel_loop3A_160 = vector.shape_cast %parallel_loop3A_159 : vector<1x16xf32> to vector<16xf32>
        %parallel_loop3A_161 = vector.shape_cast %parallel_loop3A_156 : vector<16xf32> to vector<1x16xf32>
        tpu.vector_store %arg10[%parallel_loop3A_157, %parallel_loop3A_158], %parallel_loop3A_161 {strides = array<i32>} : memref<200x64xf32, #tpu.memory_space<vmem>>, vector<1x16xf32>,
        %parallel_loop3A_162 = arith.index_cast %parallel_loop3A_127 : i32 to index
        %parallel_loop3A_163 = arith.constant 32 : index
        %parallel_loop3A_164 = tpu.vector_load %arg9[%parallel_loop3A_162, %parallel_loop3A_163] {strides = array<i32>} : memref<200x128xf32, #tpu.memory_space<vmem>>, vector<1x16xf32>,
        %parallel_loop3A_165 = vector.shape_cast %parallel_loop3A_164 : vector<1x16xf32> to vector<16xf32>
        %parallel_loop3A_166 = arith.constant 8.000000e+00 : f32
        %parallel_loop3A_167 = vector.broadcast %parallel_loop3A_166 : f32 to vector<16xf32>
        %parallel_loop3A_168 = arith.mulf %parallel_loop3A_165, %parallel_loop3A_167 : vector<16xf32>
        %parallel_loop3A_169 = arith.index_cast %parallel_loop3A_127 : i32 to index
        %parallel_loop3A_170 = arith.constant 32 : index
        %parallel_loop3A_171 = tpu.vector_load %arg7[%parallel_loop3A_169, %parallel_loop3A_170] {strides = array<i32>} : memref<200x64xf32, #tpu.memory_space<vmem>>, vector<1x16xf32>,
        %parallel_loop3A_172 = vector.shape_cast %parallel_loop3A_171 : vector<1x16xf32> to vector<16xf32>
        %parallel_loop3A_173 = arith.addf %parallel_loop3A_168, %parallel_loop3A_172 : vector<16xf32>
        %parallel_loop3A_174 = arith.index_cast %parallel_loop3A_127 : i32 to index
        %parallel_loop3A_175 = arith.constant 32 : index
        %parallel_loop3A_176 = tpu.vector_load %arg10[%parallel_loop3A_174, %parallel_loop3A_175] {strides = array<i32>} : memref<200x64xf32, #tpu.memory_space<vmem>>, vector<1x16xf32>,
        %parallel_loop3A_177 = vector.shape_cast %parallel_loop3A_176 : vector<1x16xf32> to vector<16xf32>
        %parallel_loop3A_178 = vector.shape_cast %parallel_loop3A_173 : vector<16xf32> to vector<1x16xf32>
        tpu.vector_store %arg10[%parallel_loop3A_174, %parallel_loop3A_175], %parallel_loop3A_178 {strides = array<i32>} : memref<200x64xf32, #tpu.memory_space<vmem>>, vector<1x16xf32>,
        %parallel_loop3A_179 = arith.index_cast %parallel_loop3A_127 : i32 to index
        %parallel_loop3A_180 = arith.constant 48 : index
        %parallel_loop3A_181 = tpu.vector_load %arg9[%parallel_loop3A_179, %parallel_loop3A_180] {strides = array<i32>} : memref<200x128xf32, #tpu.memory_space<vmem>>, vector<1x16xf32>,
        %parallel_loop3A_182 = vector.shape_cast %parallel_loop3A_181 : vector<1x16xf32> to vector<16xf32>
        %parallel_loop3A_183 = arith.constant 8.000000e+00 : f32
        %parallel_loop3A_184 = vector.broadcast %parallel_loop3A_183 : f32 to vector<16xf32>
        %parallel_loop3A_185 = arith.mulf %parallel_loop3A_182, %parallel_loop3A_184 : vector<16xf32>
        %parallel_loop3A_186 = arith.index_cast %parallel_loop3A_127 : i32 to index
        %parallel_loop3A_187 = arith.constant 48 : index
        %parallel_loop3A_188 = tpu.vector_load %arg7[%parallel_loop3A_186, %parallel_loop3A_187] {strides = array<i32>} : memref<200x64xf32, #tpu.memory_space<vmem>>, vector<1x16xf32>,
        %parallel_loop3A_189 = vector.shape_cast %parallel_loop3A_188 : vector<1x16xf32> to vector<16xf32>
        %parallel_loop3A_190 = arith.addf %parallel_loop3A_185, %parallel_loop3A_189 : vector<16xf32>
        %parallel_loop3A_191 = arith.index_cast %parallel_loop3A_127 : i32 to index
        %parallel_loop3A_192 = arith.constant 48 : index
        %parallel_loop3A_193 = tpu.vector_load %arg10[%parallel_loop3A_191, %parallel_loop3A_192] {strides = array<i32>} : memref<200x64xf32, #tpu.memory_space<vmem>>, vector<1x16xf32>,
        %parallel_loop3A_194 = vector.shape_cast %parallel_loop3A_193 : vector<1x16xf32> to vector<16xf32>
        %parallel_loop3A_195 = vector.shape_cast %parallel_loop3A_190 : vector<16xf32> to vector<1x16xf32>
        tpu.vector_store %arg10[%parallel_loop3A_191, %parallel_loop3A_192], %parallel_loop3A_195 {strides = array<i32>} : memref<200x64xf32, #tpu.memory_space<vmem>>, vector<1x16xf32>,
      } {sc.loop_unroll_factor = 8 : i64, sc.parallel_access}
      %add3A_117 = arith.addi %mul3A_2, %add3A_89 : i32
      %mul3A_118 = arith.constant 200 : i32
      %mul3A_119 = arith.muli %add3A_117, %mul3A_118 : i32
      "tpu.region"() ({
        %run_scoped3A = tpu.sem_alloc : memref<!tpu.dma_semaphore, #tpu.memory_space<semaphore_mem>>
        %dma_start3A_127 = arith.constant 0 : i32
        %dma_start3A_128 = tpu.memref_slice %arg5[%mul3A_119, %dma_start3A_127] : memref<204800x64xf32, #tpu.memory_space<hbm>> -> memref<200x64xf32, #tpu.memory_space<hbm>>
        %dma_start3A_129 = arith.constant 0 : i32
        %dma_start3A_130 = tpu.memref_slice %arg5[%mul3A_119, %dma_start3A_129] : memref<204800x64xf32, #tpu.memory_space<hbm>> -> memref<200x64xf32, #tpu.memory_space<hbm>>
        tpu.enqueue_dma source(%arg10 : memref<200x64xf32, #tpu.memory_space<vmem>>) target(%dma_start3A_130 : memref<200x64xf32, #tpu.memory_space<hbm>>) target_semaphore(%run_scoped3A : memref<!tpu.dma_semaphore, #tpu.memory_space<semaphore_mem>>)
        %dma_wait3A_131 = arith.constant 0 : i32
        %dma_wait3A_132 = tpu.memref_slice %arg5[%mul3A_119, %dma_wait3A_131] : memref<204800x64xf32, #tpu.memory_space<hbm>> -> memref<200x64xf32, #tpu.memory_space<hbm>>
        %dma_wait3A_133 = arith.constant 0 : i32
        %dma_wait3A_134 = tpu.memref_slice %arg5[%mul3A_119, %dma_wait3A_133] : memref<204800x64xf32, #tpu.memory_space<hbm>> -> memref<200x64xf32, #tpu.memory_space<hbm>>
        tpu.wait_dma2 semaphore(%run_scoped3A : memref<!tpu.dma_semaphore, #tpu.memory_space<semaphore_mem>>) src(%arg10 : memref<200x64xf32, #tpu.memory_space<vmem>>) dst(%dma_wait3A_134 : memref<200x64xf32, #tpu.memory_space<hbm>>)
        tpu.yield
      }) : () -> ()
      %add3A_120 = arith.constant 2 : i32
      %add3A_121 = arith.addi %add3A_89, %add3A_120 : i32
      %lt3A_122 = arith.constant 32 : i32
      %lt3A_123 = arith.cmpi slt, %add3A_121, %lt3A_122 : i32
      %convert_element_type3A_124 = arith.extui %lt3A_123 : i1 to i32
      %cond3A_125 = arith.constant 0 : i32
      %cond3A_126 = arith.cmpi ne, %convert_element_type3A_124, %cond3A_125 : i32
      scf.if %cond3A_126 {
        %add3A_127 = arith.constant 2 : i32
        %add3A_128 = arith.addi %add3A_89, %add3A_127 : i32
        %mul3A_129 = arith.constant 2 : i32
        %mul3A_130 = arith.muli %mul3A_129, %add3A_128 : i32
        %dma_start3A_131 = arith.constant 0 : i32
        %dma_start3A_132 = arith.constant 0 : i32
        %dma_start3A_133 = tpu.memref_slice %arg9[%dma_start3A_131, %dma_start3A_132] : memref<200x128xf32, #tpu.memory_space<vmem>> -> memref<100x128xf32, #tpu.memory_space<vmem>>
        %dma_start3A_134 = arith.constant 0 : i32
        %dma_start3A_135 = tpu.memref_slice %arg6[%mul3A_130, %dma_start3A_134] : memref<64x100xi32, #tpu.memory_space<vmem>> -> memref<1x100xi32, #tpu.memory_space<vmem>>
        %dma_start3A_136 = tpu.memref_squeeze %dma_start3A_135 : memref<1x100xi32, #tpu.memory_space<vmem>> -> memref<100xi32, #tpu.memory_space<vmem>>
        %dma_start3A_137 = arith.constant 0 : i32
        %dma_start3A_138 = arith.constant 0 : i32
        %dma_start3A_139 = tpu.memref_slice %arg4[%dma_start3A_137, %dma_start3A_138] : memref<1000000x128xf32, #tpu.memory_space<hbm>> -> memref<1000000x128xf32, #tpu.memory_space<hbm>>
        tpu.enqueue_indirect_dma source(%dma_start3A_139 : memref<1000000x128xf32, #tpu.memory_space<hbm>>) target(%dma_start3A_133 : memref<100x128xf32, #tpu.memory_space<vmem>>) offsets(%dma_start3A_136 : memref<100xi32, #tpu.memory_space<vmem>>) semaphore(%arg12 : memref<!tpu.dma_semaphore, #tpu.memory_space<semaphore_mem>>)
        %mul3A_140 = arith.constant 2 : i32
        %mul3A_141 = arith.muli %mul3A_140, %add3A_128 : i32
        %add3A_142 = arith.constant 1 : i32
        %add3A_143 = arith.addi %mul3A_141, %add3A_142 : i32
        %dma_start3A_144 = arith.constant 100 : i32
        %dma_start3A_145 = arith.constant 0 : i32
        %dma_start3A_146 = tpu.memref_slice %arg9[%dma_start3A_144, %dma_start3A_145] : memref<200x128xf32, #tpu.memory_space<vmem>> -> memref<100x128xf32, #tpu.memory_space<vmem>>
        %dma_start3A_147 = arith.constant 0 : i32
        %dma_start3A_148 = tpu.memref_slice %arg6[%add3A_143, %dma_start3A_147] : memref<64x100xi32, #tpu.memory_space<vmem>> -> memref<1x100xi32, #tpu.memory_space<vmem>>
        %dma_start3A_149 = tpu.memref_squeeze %dma_start3A_148 : memref<1x100xi32, #tpu.memory_space<vmem>> -> memref<100xi32, #tpu.memory_space<vmem>>
        %dma_start3A_150 = arith.constant 0 : i32
        %dma_start3A_151 = arith.constant 0 : i32
        %dma_start3A_152 = tpu.memref_slice %arg4[%dma_start3A_150, %dma_start3A_151] : memref<1000000x128xf32, #tpu.memory_space<hbm>> -> memref<1000000x128xf32, #tpu.memory_space<hbm>>
        tpu.enqueue_indirect_dma source(%dma_start3A_152 : memref<1000000x128xf32, #tpu.memory_space<hbm>>) target(%dma_start3A_146 : memref<100x128xf32, #tpu.memory_space<vmem>>) offsets(%dma_start3A_149 : memref<100xi32, #tpu.memory_space<vmem>>) semaphore(%arg12 : memref<!tpu.dma_semaphore, #tpu.memory_space<semaphore_mem>>)
      } else {
      }
    }
    %scan3A_50 = arith.constant 16 : i32
    return
  }
}

module attributes {stable_mosaic.version = 14 : i64} {
  func.func @body(%arg0: i32, %arg1: memref<64x16384xf32, #tpu.memory_space<vmem>>, %arg2: memref<16384x128xf32, #tpu.memory_space<vmem>>) attributes {dimension_semantics = [#tpu.dimension_semantics<arbitrary>], iteration_bounds = array<i64: 62>, scalar_prefetch = 0 : i64, scratch_operands = 0 : i64, tpu.core_type = #tpu.core_type<tc>, window_params = [{transform_indices = @transform_0, window_bounds = array<i64: 64, 16384>}, {transform_indices = @transform_1, window_bounds = array<i64: 16384, 128>}]} {
    %get3A = arith.constant 0 : index
    %get3A_0 = arith.constant 0 : index
    %get3A_1 = vector.load %arg1[%get3A, %get3A_0] : memref<64x16384xf32, #tpu.memory_space<vmem>>, vector<64x16384xf32>
    %transpose3A = tpu.transpose %get3A_1, [1, 0] : vector<64x16384xf32> -> vector<16384x64xf32>
    %swap3A = arith.constant 0 : index
    %swap3A_2 = arith.constant 0 : index
    %swap3A_3 = vector.load %arg2[%swap3A, %swap3A_2] : memref<16384x128xf32, #tpu.memory_space<vmem>>, vector<16384x64xf32>
    tpu.vector_store %arg2[%swap3A, %swap3A_2], %transpose3A {strides = array<i32>} : memref<16384x128xf32, #tpu.memory_space<vmem>>, vector<16384x64xf32>,
    return
  }
  func.func @transform_0(%arg0: i32) -> (i32, i32) {
    %c0_i32 = arith.constant 0 : i32
    %c0_i32_0 = arith.constant 0 : i32
    return %c0_i32, %arg0 : i32, i32
  }
  func.func @transform_1(%arg0: i32) -> (i32, i32) {
    %c0_i32 = arith.constant 0 : i32
    %c0_i32_0 = arith.constant 0 : i32
    return %arg0, %c0_i32 : i32, i32
  }
}

</mosaic_0001>

<sc_bundles>
// kernel: kernel.4.cloned.1.call-start
scs
__scs_entry_jumppad:
0x0: {  	(pc) =	sbr.rel $0x88, $3  }
0x1: {  	(tag) =	ssettag $0x0;
	lr =	simm.s32 $0x1  }
0x2: {  	[smem:$0x3F9F] =	sst lr;
	_ =	strace $0xD0000000  }
0x3: {  	_ = 	snop  }
0x4: {  	_ = 	snop  }
0x5: {  	_ = 	snop  }
0x6: {  	_ = 	snop  }
0x7: {  	_ = 	snop  }
__scs_overlays_trampoline_lowered:
0x8: {  	[smem:$0x3FAE] =	sst s0  }
0x9: {  	[smem:$0x3FAF] =	sst s1  }
0xa: {  	[smem:$0x3FB0] =	sst s2  }
0xb: {  	[smem:$0x3FB1] =	sst s3  }
0xc: {  	[smem:$0x3FB2] =	sst s4  }
0xd: {  	[smem:$0x3FB3] =	sst s5  }
0xe: {  	[smem:$0x3FB4] =	sst s6  }
0xf: {  	[smem:$0x3FB5] =	sst s7  }
0x10: {  	[smem:$0x3FB6] =	sst s8  }
0x11: {  	[smem:$0x3FB7] =	sst s9;
	s0 =	simm.s32 @!p0 $0x0  }
0x12: {  	s1 =	sld [smem:$0x3F9D];
	s0 =	simm.s32 @p0 $0x1  }
0x13: {  	[smem:$0x3FB8] =	sst s0;
	s0 =	simm.s32 @!p1 $0x0  }
0x14: {  	s2 =	sld [smem:$0x3F9C];
	s0 =	simm.s32 @p1 $0x1  }
0x15: {  	[smem:$0x3FB9] =	sst s0;
	s0 =	simm.s32 @!p2 $0x0  }
0x16: {  	s3 =	sld [smem:$0x3FDB];
	s0 =	simm.s32 @p2 $0x1  }
0x17: {  	s4 =	simm.s32 $0x1BF5;
	[smem:$0x3FBB] =	sst s0  }
0x18: {  	s0 =	sld [smem:$0x3F9E];
	_ =	swait.ge [sflag:s4], $0x0  }
0x19: {  	s7 =	sld [smem:$0x3F9F]  }
0x1a: {  	s8 =	sadd.s32 $0xFFFFE003, lr  }
0x1b: {  	s9 =	sadd.s32 $0xFFFFFEF7, lr;
	s5 =	simm.s32 $0xFFFFFFFF;
	p2 =	slt.u32 s8, $0xFFFFF086  }
0x1c: {  	p1 =	slt.u32 s9, $0xF7A;
	s5 =	simm.s32 @!p2 $0x0  }
0x1d: {  	s5 =	simm.s32 @p1 $0x1;
	p0 =	seq.s32 s7, s2  }
0x1e: {  	s7 =	smul.u32 @!p0 $0xF7A, s2;
	p2 =	seq.s32 @!p0 s5, $0x0  }
0x1f: {  	s9 =	smul.u32 $0xF7A, s1;
	s8 =	simm.s32 @!p0 $0x1BF5;
	p2 =	por !p2, p0  }
0x20: {  	[sflag:s8] =	ssyncset.s32 @!p0 $0xFFFFF086;
	s6 =	sadd.s32 @!p0 s3, s7;
	s7 =	simm.s32 @!p0 $0x108  }
0x21: {  	s3 =	sadd.s32 s3, s9;
	s6 =	sadd.s32 @!p0 $0x88, s6;
	s7 =	simm.s32 @p2 $0x1082  }
0x22: {  	[simem:s7], [sflag:s8] =	dma.local @!p0 [hbm:s6], $0xF7A  }
0x23: {  	s9 =	sor.u32 $0xD0000000, s2;
	s6 =	simm.s32 $0x108;
	_ =	swait.ge @!p0 [sflag:s8], $0x0  }
0x24: {  	s3 =	sadd.s32 $0x88, s3;
	s6 =	simm.s32 @!p1 $0x1082;
	[sflag:s4] =	ssyncset.s32 $0xFFFFF086  }
0x25: {  	[simem:s6], [sflag:s4] =	dma.local [hbm:s3], $0xF7A  }
0x26: {  	[smem:$0x3F9F] =	sst s1;
	(tag) =	ssettag s2;
	_ =	strace s9  }
0x27: {  	s1 =	sld [smem:$0x3FAF]  }
0x28: {  	s2 =	sld [smem:$0x3FB0]  }
0x29: {  	s4 =	sld [smem:$0x3FB2]  }
0x2a: {  	p0 =	seq.s32 s5, $0x0;
	s5 =	sld [smem:$0x3FB3]  }
0x2b: {  	s6 =	sld [smem:$0x3FB4]  }
0x2c: {  	s7 =	sld [smem:$0x3FB5]  }
0x2d: {  	s3 =	simm.s32 $0x108;
	s8 =	sld [smem:$0x3FB6]  }
0x2e: {  	s3 =	simm.s32 @!p0 $0x1082;
	s9 =	sld [smem:$0x3FB7]  }
0x2f: {  	lr =	sadd.s32 s0, s3;
	s0 =	sld [smem:$0x3FAE]  }
0x30: {  	s3 =	sld [smem:$0x3FB1]  }
0x31: {  	[smem:$0x3FBA] =	sst s10  }
0x32: {  	s10 =	sld [smem:$0x3FB8];
	_ =	sdelay $0x3  }
0x33: {  	p0 =	seq.s32 s10, $0x1;
	s10 =	sld [smem:$0x3FBA];
	_ =	sdelay $0x3  }
0x34: {  	[smem:$0x3FBA] =	sst s10  }
0x35: {  	s10 =	sld [smem:$0x3FB9];
	_ =	sdelay $0x3  }
0x36: {  	p1 =	seq.s32 s10, $0x1;
	s10 =	sld [smem:$0x3FBA];
	_ =	sdelay $0x3  }
0x37: {  	[smem:$0x3FBA] =	sst s10  }
0x38: {  	s10 =	sld [smem:$0x3FBB]  }
0x39: {  	_ = 	snop;
	(pc) =	sbr.ind lr, $3  }
0x3a: {  	_ = 	snop  }
0x3b: {  	_ = 	snop  }
0x3c: {  	p2 =	seq.s32 s10, $0x1;
	s10 =	sld [smem:$0x3FBA]  }
0x3d: {  	_ =	shalt  }
0x3e: {  	_ =	shalt  }
0x3f: {  	_ =	shalt  }
0x40: {  	_ =	shalt  }
0x41: {  	_ =	shalt  }
0x42: {  	_ =	shalt  }
0x43: {  	_ =	shalt  }
0x44: {  	_ =	shalt  }
0x45: {  	_ =	shalt  }
0x46: {  	_ =	shalt  }
0x47: {  	_ =	shalt  }
0x48: {  	_ =	shalt  }
0x49: {  	_ =	shalt  }
0x4a: {  	_ =	shalt  }
0x4b: {  	_ =	shalt  }
0x4c: {  	_ =	shalt  }
0x4d: {  	_ =	shalt  }
0x4e: {  	_ =	shalt  }
0x4f: {  	_ =	shalt  }
0x50: {  	_ =	shalt  }
0x51: {  	_ =	shalt  }
0x52: {  	_ =	shalt  }
0x53: {  	_ =	shalt  }
0x54: {  	_ =	shalt  }
0x55: {  	_ =	shalt  }
0x56: {  	_ =	shalt  }
0x57: {  	_ =	shalt  }
0x58: {  	_ =	shalt  }
0x59: {  	_ =	shalt  }
0x5a: {  	_ =	shalt  }
0x5b: {  	_ =	shalt  }
0x5c: {  	_ =	shalt  }
0x5d: {  	_ =	shalt  }
0x5e: {  	_ =	shalt  }
0x5f: {  	_ =	shalt  }
0x60: {  	_ =	shalt  }
0x61: {  	_ =	shalt  }
0x62: {  	_ =	shalt  }
0x63: {  	_ =	shalt  }
0x64: {  	_ =	shalt  }
0x65: {  	_ =	shalt  }
0x66: {  	_ =	shalt  }
0x67: {  	_ =	shalt  }
0x68: {  	_ =	shalt  }
0x69: {  	_ =	shalt  }
0x6a: {  	_ =	shalt  }
0x6b: {  	_ =	shalt  }
0x6c: {  	_ =	shalt  }
0x6d: {  	_ =	shalt  }
0x6e: {  	_ =	shalt  }
0x6f: {  	_ =	shalt  }
0x70: {  	_ =	shalt  }
0x71: {  	_ =	shalt  }
0x72: {  	_ =	shalt  }
0x73: {  	_ =	shalt  }
0x74: {  	_ =	shalt  }
0x75: {  	_ =	shalt  }
0x76: {  	_ =	shalt  }
0x77: {  	_ =	shalt  }
0x78: {  	_ =	shalt  }
0x79: {  	_ =	shalt  }
0x7a: {  	_ =	shalt  }
0x7b: {  	_ =	shalt  }
0x7c: {  	_ =	shalt  }
0x7d: {  	_ =	shalt  }
0x7e: {  	_ =	shalt  }
0x7f: {  	_ =	shalt  }
0x80: {  	_ =	shalt  }
0x81: {  	_ =	shalt  }
0x82: {  	_ =	shalt  }
0x83: {  	_ =	shalt  }
0x84: {  	_ =	shalt  }
0x85: {  	_ =	shalt  }
0x86: {  	_ =	shalt  }
0x87: {  	_ =	shalt  }
.Lfunc_end0:
.L_simem_size_0:
called_computation.1_lowered:
.L_overlay_start_0:
0x88: {  	s2 =	sld [smem:$0x3FD9]  }
0x89: {  	s3 =	sld [smem:$0x3FFE];
	_ =	sdelay $0x1  }
0x8a: {  	s1 =	srdreg.scid  }
0x8b: {  	s0 =	sand.u32 $0x1, s1  }
0x8c: {  	s17 =	sshll.u32 s0, $0xA;
	s2 =	sadd.s32 s3, s2  }
0x8d: {  	s2 =	sadd.s32 s2, s17  }
0x8e: {  	[smem:$0x3FC6] =	sst s2  }
0x8f: {  	_ = 	snop  }
0x90: {  	s2 =	sld [smem:$0x3FD0];
	(tm) =	ssettm $0x1  }
0x91: {  	s18 =	sld [smem:$0x3FFB];
	_ =	sdelay $0x3  }
0x92: {  	_ =	strace s18  }
0x93: {  	s3 =	sld [smem:$0x3FFC];
	_ =	sdelay $0x3  }
0x94: {  	_ =	strace s3  }
0x95: {  	s3 =	sld [smem:$0x3FFD];
	_ =	sdelay $0x3  }
0x96: {  	_ =	strace s3  }
0x97: {  	_ =	strace $0x8FFFFFFF  }
0x98: {  	s19 =	sld [smem:$0x3FDB];
	_ =	sdelay $0x1  }
0x99: {  	s4 =	simm.s32 $_scs_section_size  }
0x9a: {  	s5 =	simm.s32 $_size__tile_overlayer_lowered;
	s6 =	simm.s32 $_tile_overlayer_lowered  }
0x9b: {  	s22 =	simm.s32 $0x1BFF;
	s21 =	sshll.u32 s6, $0x1;
	s3 =	sadd.s32 s4, s19  }
0x9c: {  	s7 =	simm.s32 $0x0;
	s20 =	sshll.u32 s5, $0x1;
	s5 =	sadd.s32 s21, s3  }
0x9d: {  	[timem:s7], [sflag:s22] =	dma.local [hbm:s5], s20  }
0x9e: {  	_ =	swait.ge [sflag:s22], s20  }
0x9f: {  	s4 =	ssub.s32 $0x0, s20;
	[sflag:s22] =	ssyncset.done $0x0  }
0xa0: {  	[sflag:s22] =	ssyncadd.s32 s4;
	_ =	sdelay $0x1  }
0xa1: {  	s23 =	simm.s32 $0x1B8B  }
0xa2: {  	_ =	swait.ge [sflag:s23], $0x1  }
0xa3: {  	[sflag:s23] =	ssyncset.done $0x0  }
0xa4: {  	s25 =	simm.s32 $0x1B8E;
	s24 =	sld [smem:$0x3FFE];
	[sflag:s23] =	ssyncadd.s32 $0xFFFFFFFF  }
0xa5: {  	s26 =	simm.s32 $execute0_lowered;
	[smem:$0x3FD2] =	sst s25  }
0xa6: {  	s5 =	sshll.u32 s26, $0x1;
	_ =	strace $0x80000046;
	[dreg:$0x1] =	wrdreg $0xFFFFFFFF  }
0xa7: {  	s28 =	simm.s32 $_size_execute0_lowered;
	s3 =	sadd.s32 s3, s5;
	[dreg:$0x0] =	wrdreg $0x0  }
0xa8: {  	s5 =	sshll.u32 s28, $0x1;
	[dreg:$0x2] =	wrdreg s3  }
0xa9: {  	[dreg:$0x3] =	wrdreg s5  }
0xaa: {  	[dreg:$0x4] =	wrdreg $0xC0  }
0xab: {  	_ =	task [dreg:s7], $0x5FFFF  }
0xac: {  	[dreg:$0x1] =	wrdreg $0xFFFFFFFF  }
0xad: {  	[dreg:$0x0] =	wrdreg $0x60  }
0xae: {  	[dreg:$0x2] =	wrdreg s2  }
0xaf: {  	[dreg:$0x3] =	wrdreg s24  }
0xb0: {  	[dreg:$0x4] =	wrdreg $0x9  }
0xb1: {  	_ =	task.clear_ibuf [dreg:s7], $0x5FFFF;
	_ =	strace $0x90000046  }
0xb2: {  	s29 =	simm.s32 $0x9;
	_ =	strace $0x80000048  }
0xb3: {  	_ =	swait.ge [sflag:s29], $0x1  }
0xb4: {  	[sflag:s29] =	ssyncadd.s32 $0xFFFFFFFF  }
0xb5: {  	_ =	strace $0x90000048  }
0xb6: {  	_ =	sfence  }
0xb7: {  	s30 =	sld [smem:$0x0];
	_ =	sdelay $0x2  }
0xb8: {  	s31 =	sshll.u32 s1, $0xD;
	s1 =	sshrl.u32 s1, $0x2  }
0xb9: {  	s3 =	sand.u32 $0x4000, s31;
	s1 =	sadd.s32 s1, s30  }
0xba: {  	s0 =	sor.u32 s3, s0;
	s1 =	sshll.u32 s1, $0x11  }
0xbb: {  	s0 =	sor.u32 s1, s0  }
0xbc: {  	s0 =	sadd.s32 $0x8F2B, s0  }
0xbd: {  	[sflag:s0] =	ssyncadd.remote.s32 $0x1  }
0xbe: {  	_ =	sfence.sel $0xFFFF  }
0xbf: {  	[dreg:$0x0] =	wrdreg $0xFFFFFFFF;
	(pc) =	sbr.abs _section_cstart, $3  }
0xc0: {  	[dreg:$0x1] =	wrdreg $0xFFFFFFFF  }
0xc1: {  	_ =	task.clear_ibuf [dreg:s7], $0x2FFFF;
	_ =	strace $0x9FFFFFFF  }
0xc2: {  	(tm) =	ssettm $0x7FFFFFFF  }
0xc3: {  	_ =	shalt  }
tec
execute0_lowered:
.L_overlay_start_1:
0x0: {  	(tag) =	ssettag $0x1  }
0x1: {  	s7 =	rddreg [dreg:$0x0]  }
0x2: {  	s5 =	rddreg [dreg:$0x1]  }
0x3: {  	s0 =	rddreg [dreg:$0x2]  }
0x4: {  	s2 =	simm.s32 $0x0;
	s4 =	srdreg.scid;
	s1 =	stileid.u32  }
0x5: {  	s11 =	simm.s32 $0x64;
	s12 =	simm.s32 $0x8400;
	s13 =	simm.s32 $0x80  }
0x6: {  	s14 =	simm.s32 $0xB600;
	s15 =	simm.s32 $0x100;
	s16 =	simm.s32 $0xE800  }
0x7: {  	s17 =	simm.s32 $0x180;
	s18 =	simm.s32 $0x11A00;
	s19 =	simm.s32 $0x1  }
0x8: {  	s20 =	simm.s32 $0x14C00;
	s21 =	simm.s32 $0x2;
	s22 =	simm.s32 $0x0  }
0x9: {  	[smem:$0x7FF] =	sst s2;
	s3 =	sadd.s32 $0xF42E00, s5;
	s6 =	sand.u32 $0x1, s4  }
.Ltmp0:
0xa: {  	s8 =	sshll.u32 s1, $0x1;
	s4 =	sadd.s32 $0xA00, s5;
	(pc) =	sbr.rel .LBB2_1-.Ltmp0, $4  }
0xb: {  	s5 =	sadd.s32 $0xF43C00, s5;
	s9 =	ssub.s32 $0x2, s6;
	s6 =	sor.u32 s6, s8  }
0xc: {  	_ =	strace $0x80000047;
	s31 =	sshrl.u32 s9, $0x1;
	s10 =	sshll.u32 s6, $0xA  }
0xd: {  	s6 =	sshll.u32 s6, $0x5;
	s8 =	ssub.s32 s9, s31;
	s7 =	sadd.s32 s7, s10  }
0xe: {  	s9 =	simm.s32 $0x3;
	s10 =	simm.s32 $0x2000;
	s8 =	smax.u32 s8, $0x1  }
.LBB2_8:
0xf: {  	s22 =	sadd.s32 $0x1, s22  }
0x10: {  	p0 =	sne.s32 s22, s8  }
.Ltmp1:
0x11: {  	_ = 	snop;
	(pc) =	sbr.rel @!p0 .LBB2_9-.Ltmp1, $1  }
0x12: {  	_ =	sdelay $0x3  }
.LBB2_1:
0x13: {  	[tilespmem:s2], [sflag:$0x3] =	stream.linear.gather [hbm4b:s7+s2], $0x2000, $0x38;
	[tilespmem:$0x1B000] =	vst v63  }
0x14: {  	_ =	swait.ge [sflag:s9], $0x2000  }
0x15: {  	[sflag:s9] =	ssyncset.done $0x0  }
0x16: {  	[sflag:s9] =	ssyncadd.s32 $0xFFFFE000  }
0x17: {  	[tilespmem:s10], [sflag:$0x3] =	stream.linear.gather [hbm4b:s3+s2], $0x6400, $0x38;
	[tilespmem:$0x1B000] =	vst v63  }
0x18: {  	_ =	swait.ge [sflag:s9], $0x6400  }
0x19: {  	[sflag:s9] =	ssyncset.done $0x0  }
0x1a: {  	[sflag:s9] =	ssyncadd.s32 $0xFFFF9C00  }
0x1b: {  	[tilespmem:s12], [sflag:$0x1] =	stream.indirect.gather [hbm4b:s4+s11], $0x80, s2, s11, $0xb8;
	[tilespmem:$0x1B000] =	vst v63  }
0x1c: {  	_ = 	snop  }
0x1d: {  	[tilespmem:s14], [sflag:$0x1] =	stream.indirect.gather [hbm4b:s4+s11], $0x80, s13, s11, $0xb8;
	[tilespmem:$0x1B000] =	vst v63  }
0x1e: {  	_ = 	snop  }
0x1f: {  	[tilespmem:s16], [sflag:$0x2] =	stream.indirect.gather [hbm4b:s4+s11], $0x80, s15, s11, $0xb8;
	[tilespmem:$0x1B000] =	vst v63  }
0x20: {  	s23 =	simm.s32 $0x0  }
0x21: {  	[tilespmem:s18], [sflag:$0x2] =	stream.indirect.gather [hbm4b:s4+s11], $0x80, s17, s11, $0xb8;
	[tilespmem:$0x1B000] =	vst v63  }
.LBB2_2:
0x22: {  	_ =	swait.ge [sflag:s19], $0x3200  }
0x23: {  	[sflag:s19] =	ssyncset.done $0x0  }
0x24: {  	[sflag:s19] =	ssyncadd.s32 $0xFFFFCE00  }
0x25: {  	_ =	swait.ge [sflag:s19], $0x3200  }
0x26: {  	[sflag:s19] =	ssyncset.done $0x0  }
0x27: {  	s26 =	simm.s32 $0x8600;
	[sflag:s19] =	ssyncadd.s32 $0xFFFFCE00  }
0x28: {  	v0 =	vld [tilespmem:s26+$0x180]  }
0x29: {  	s24 =	simm.s32 $0x2200;
	v1 =	vld [tilespmem:s26+$0xFFFFFE80]  }
0x2a: {  	v2 =	vld [tilespmem:s24+$0x180]  }
0x2b: {  	v3 =	vld [tilespmem:s26+$0xFFFFFF00]  }
0x2c: {  	v4 =	vld [tilespmem:s26+$0xFFFFFF80]  }
0x2d: {  	v5 =	vld [tilespmem:s26+$0x0]  }
0x2e: {  	v6 =	vld [tilespmem:s26+$0x80]  }
0x2f: {  	v8 =	vld [tilespmem:s24+$0xFFFFFE00];
	v0 =	vmul.f32 $8.000000000e+00, v0  }
0x30: {  	v9 =	vld [tilespmem:s24+$0xFFFFFE80]  }
0x31: {  	v12 =	vld [tilespmem:s24+$0xFFFFFF80];
	v0 =	vadd.f32 v2, v0  }
0x32: {  	s25 =	simm.s32 $0x14E00;
	v2 =	vld [tilespmem:s26+$0xFFFFFE00]  }
0x33: {  	v11 =	vld [tilespmem:s24+$0xFFFFFF00];
	v1 =	vmul.f32 $8.000000000e+00, v1;
	[tilespmem:s25+$0x180] =	vst v0  }
0x34: {  	v0 =	vld [tilespmem:s26+$0x190]  }
0x35: {  	v7 =	vld [tilespmem:s26+$0x100];
	v4 =	vmul.f32 $8.000000000e+00, v4;
	v1 =	vadd.f32 v9, v1  }
0x36: {  	v3 =	vmul.f32 $8.000000000e+00, v3;
	v10 =	vld [tilespmem:s24+$0x190]  }
0x37: {  	v9 =	vld [tilespmem:s24+$0x80];
	v4 =	vadd.f32 v12, v4;
	[tilespmem:s25+$0xFFFFFE80] =	vst v1;
	v2 =	vmul.f32 $8.000000000e+00, v2  }
0x38: {  	v1 =	vadd.f32 v11, v3;
	v3 =	vmul.f32 $8.000000000e+00, v5;
	v5 =	vld [tilespmem:s26+$0xFFFFFE90]  }
0x39: {  	[tilespmem:s25+$0xFFFFFF80] =	vst v4;
	v2 =	vadd.f32 v8, v2;
	v8 =	vld [tilespmem:s24+$0x0];
	v0 =	vmul.f32 $8.000000000e+00, v0  }
0x3a: {  	v11 =	vld [tilespmem:s24+$0xFFFFFF90]  }
0x3b: {  	[tilespmem:s25+$0xFFFFFE00] =	vst v2;
	v2 =	vld [tilespmem:s24+$0x100];
	v0 =	vadd.f32 v10, v0  }
0x3c: {  	[tilespmem:s25+$0xFFFFFF00] =	vst v1;
	v10 =	vld [tilespmem:s26+$0xFFFFFE10]  }
0x3d: {  	[tilespmem:s25+$0x190] =	vst v0;
	v0 =	vmul.f32 $8.000000000e+00, v6;
	v6 =	vmul.f32 $8.000000000e+00, v7;
	v7 =	vld [tilespmem:s26+$0xFFFFFF10]  }
0x3e: {  	v3 =	vadd.f32 v8, v3;
	v8 =	vld [tilespmem:s24+$0xFFFFFE10]  }
0x3f: {  	v1 =	vld [tilespmem:s26+$0x1A0]  }
0x40: {  	v4 =	vld [tilespmem:s24+$0x1A0]  }
0x41: {  	v0 =	vadd.f32 v9, v0;
	v9 =	vld [tilespmem:s24+$0xFFFFFF10]  }
0x42: {  	[tilespmem:s25+$0x0] =	vst v3;
	v2 =	vadd.f32 v2, v6;
	v3 =	vld [tilespmem:s26+$0xFFFFFF90]  }
0x43: {  	v10 =	vmul.f32 $8.000000000e+00, v10;
	[tilespmem:s25+$0x80] =	vst v0;
	v0 =	vld [tilespmem:s26+$0x10]  }
0x44: {  	[tilespmem:s25+$0x100] =	vst v2;
	v2 =	vld [tilespmem:s26+$0x90];
	v7 =	vmul.f32 $8.000000000e+00, v7  }
0x45: {  	v6 =	vld [tilespmem:s26+$0x110];
	v8 =	vadd.f32 v8, v10;
	v1 =	vmul.f32 $8.000000000e+00, v1  }
0x46: {  	v10 =	vld [tilespmem:s24+$0x10];
	v7 =	vadd.f32 v9, v7  }
0x47: {  	[tilespmem:s25+$0xFFFFFE10] =	vst v8;
	v8 =	vld [tilespmem:s24+$0x110];
	v1 =	vadd.f32 v4, v1  }
0x48: {  	v3 =	vmul.f32 $8.000000000e+00, v3;
	v4 =	vld [tilespmem:s24+$0xFFFFFE90];
	[tilespmem:s25+$0xFFFFFF10] =	vst v7  }
0x49: {  	[tilespmem:s25+$0x1A0] =	vst v1;
	v9 =	vld [tilespmem:s26+$0xFFFFFF20]  }
0x4a: {  	v0 =	vmul.f32 $8.000000000e+00, v0;
	v3 =	vadd.f32 v11, v3;
	v1 =	vld [tilespmem:s26+$0x1B0]  }
0x4b: {  	v62 =	vld [tilespmem:s24+$0x1B0]  }
0x4c: {  	v5 =	vmul.f32 $8.000000000e+00, v5;
	[tilespmem:s25+$0xFFFFFF90] =	vst v3;
	v0 =	vadd.f32 v10, v0;
	v10 =	vld [tilespmem:s24+$0xFFFFFF20]  }
0x4d: {  	v3 =	vld [tilespmem:s26+$0xFFFFFFA0]  }
0x4e: {  	v6 =	vmul.f32 $8.000000000e+00, v6;
	v4 =	vadd.f32 v4, v5;
	v5 =	vld [tilespmem:s24+$0x90]  }
0x4f: {  	v11 =	vld [tilespmem:s24+$0xFFFFFFA0];
	[tilespmem:s25+$0x10] =	vst v0  }
0x50: {  	v0 =	vadd.f32 v8, v6;
	v6 =	vld [tilespmem:s26+$0x20]  }
0x51: {  	v2 =	vmul.f32 $8.000000000e+00, v2;
	[tilespmem:s25+$0xFFFFFE90] =	vst v4;
	v4 =	vld [tilespmem:s26+$0xFFFFFE20]  }
0x52: {  	v7 =	vld [tilespmem:s26+$0xFFFFFEA0]  }
0x53: {  	[tilespmem:s25+$0x110] =	vst v0;
	v2 =	vadd.f32 v5, v2;
	v5 =	vld [tilespmem:s24+$0xFFFFFE20]  }
0x54: {  	v0 =	vld [tilespmem:s26+$0x120];
	v3 =	vmul.f32 $8.000000000e+00, v3  }
0x55: {  	v8 =	vld [tilespmem:s24+$0xFFFFFEA0];
	[tilespmem:s25+$0x90] =	vst v2  }
0x56: {  	v3 =	vadd.f32 v11, v3;
	v4 =	vmul.f32 $8.000000000e+00, v4;
	v2 =	vld [tilespmem:s26+$0xA0]  }
0x57: {  	v13 =	vld [tilespmem:s24+$0xA0]  }
0x58: {  	v7 =	vmul.f32 $8.000000000e+00, v7;
	[tilespmem:s25+$0xFFFFFFA0] =	vst v3;
	v4 =	vadd.f32 v5, v4;
	v5 =	vld [tilespmem:s24+$0x20]  }
0x59: {  	v9 =	vmul.f32 $8.000000000e+00, v9;
	v3 =	vld [tilespmem:s26+$0xFFFFFFB0]  }
0x5a: {  	[tilespmem:s25+$0xFFFFFE20] =	vst v4;
	v4 =	vadd.f32 v8, v7;
	v7 =	vld [tilespmem:s24+$0x120]  }
0x5b: {  	v6 =	vmul.f32 $8.000000000e+00, v6;
	v8 =	vadd.f32 v10, v9;
	v9 =	vld [tilespmem:s26+$0xFFFFFE30]  }
0x5c: {  	v2 =	vmul.f32 $8.000000000e+00, v2;
	[tilespmem:s25+$0xFFFFFEA0] =	vst v4;
	v4 =	vld [tilespmem:s24+$0xFFFFFE30]  }
0x5d: {  	v0 =	vmul.f32 $8.000000000e+00, v0;
	[tilespmem:s25+$0xFFFFFF20] =	vst v8;
	v10 =	vld [tilespmem:s26+$0xFFFFFEB0];
	v5 =	vadd.f32 v5, v6  }
0x5e: {  	v8 =	vld [tilespmem:s26+$0xFFFFFF30];
	v2 =	vadd.f32 v13, v2  }
0x5f: {  	v11 =	vld [tilespmem:s24+$0xFFFFFEB0];
	[tilespmem:s25+$0x20] =	vst v5;
	v0 =	vadd.f32 v7, v0  }
0x60: {  	[tilespmem:s25+$0xA0] =	vst v2;
	v5 =	vld [tilespmem:s26+$0x30]  }
0x61: {  	v7 =	vld [tilespmem:s26+$0xB0];
	[tilespmem:s25+$0x120] =	vst v0  }
0x62: {  	v1 =	vmul.f32 $8.000000000e+00, v1;
	v0 =	vld [tilespmem:s26+$0x130]  }
0x63: {  	v6 =	vld [tilespmem:s24+$0xFFFFFF30];
	v2 =	vmul.f32 $8.000000000e+00, v9  }
0x64: {  	v9 =	vadd.f32 v62, v1;
	v1 =	vld [tilespmem:s24+$0xFFFFFFB0]  }
0x65: {  	v63 =	vadd.f32 v4, v2;
	v10 =	vmul.f32 $8.000000000e+00, v10;
	v8 =	vmul.f32 $8.000000000e+00, v8;
	v2 =	vld [tilespmem:s24+$0x30]  }
0x66: {  	[tilespmem:s25+$0x1B0] =	vst v9;
	v9 =	vmul.f32 $8.000000000e+00, v3;
	v3 =	vld [tilespmem:s24+$0xB0];
	v4 =	vmul.f32 $8.000000000e+00, v5  }
0x67: {  	s28 =	simm.s32 $0x8A00;
	s26 =	simm.s32 $0x0;
	[tilespmem:s25+$0xFFFFFE30] =	vst v63;
	v10 =	vadd.f32 v11, v10;
	v5 =	vmul.f32 $8.000000000e+00, v7;
	v7 =	vld [tilespmem:s24+$0x130];
	v0 =	vmul.f32 $8.000000000e+00, v0  }
.LBB2_3:
0x68: {  	v11 =	vld [tilespmem:s28+$0x180];
	s26 =	sadd.s32 $0x8, s26;
	v6 =	vadd.f32 v6, v8  }
0x69: {  	s24 =	sadd.s32 $0x400, s24;
	v8 =	vld [tilespmem:s28+$0xFFFFFE80];
	p0 =	slt.u32 s26, $0xC0;
	[tilespmem:s25+$0xFFFFFEB0] =	vst v10;
	v1 =	vadd.f32 v1, v9  }
0x6a: {  	v9 =	vld [tilespmem:s24+$0x180];
	[tilespmem:s25+$0xFFFFFF30] =	vst v6;
	v2 =	vadd.f32 v2, v4  }
0x6b: {  	v4 =	vld [tilespmem:s28+$0xFFFFFF00];
	[tilespmem:s25+$0xFFFFFFB0] =	vst v1;
	v1 =	vadd.f32 v3, v5  }
0x6c: {  	v3 =	vld [tilespmem:s28+$0xFFFFFF80];
	[tilespmem:s25+$0x30] =	vst v2;
	v0 =	vadd.f32 v7, v0  }
0x6d: {  	v2 =	vld [tilespmem:s28+$0x0];
	v5 =	vmul.f32 $8.000000000e+00, v11;
	[tilespmem:s25+$0xB0] =	vst v1  }
0x6e: {  	v1 =	vmul.f32 $8.000000000e+00, v8;
	v6 =	vld [tilespmem:s28+$0x80];
	[tilespmem:s25+$0x130] =	vst v0  }
0x6f: {  	v0 =	vld [tilespmem:s28+$0x100];
	v5 =	vadd.f32 v9, v5  }
0x70: {  	s25 =	sadd.s32 $0x400, s25;
	v7 =	vld [tilespmem:s28+$0xFFFFFE00];
	v4 =	vmul.f32 $8.000000000e+00, v4  }
0x71: {  	v8 =	vld [tilespmem:s24+$0xFFFFFE00];
	v3 =	vmul.f32 $8.000000000e+00, v3;
	[tilespmem:s25+$0x180] =	vst v5  }
0x72: {  	v2 =	vmul.f32 $8.000000000e+00, v2;
	v5 =	vld [tilespmem:s28+$0x190]  }
0x73: {  	v9 =	vld [tilespmem:s24+$0xFFFFFE80];
	v6 =	vmul.f32 $8.000000000e+00, v6  }
0x74: {  	v0 =	vmul.f32 $8.000000000e+00, v0;
	v10 =	vld [tilespmem:s24+$0x190]  }
0x75: {  	v7 =	vmul.f32 $8.000000000e+00, v7;
	v11 =	vld [tilespmem:s24+$0xFFFFFF00]  }
0x76: {  	v12 =	vld [tilespmem:s24+$0xFFFFFF80]  }
0x77: {  	v7 =	vadd.f32 v8, v7;
	v8 =	vld [tilespmem:s24+$0x0];
	v5 =	vmul.f32 $8.000000000e+00, v5  }
0x78: {  	v1 =	vadd.f32 v9, v1;
	v9 =	vld [tilespmem:s24+$0x80]  }
0x79: {  	[tilespmem:s25+$0xFFFFFE00] =	vst v7;
	v7 =	vld [tilespmem:s24+$0x100];
	v5 =	vadd.f32 v10, v5  }
0x7a: {  	v10 =	vld [tilespmem:s28+$0xFFFFFE10];
	[tilespmem:s25+$0xFFFFFE80] =	vst v1;
	v1 =	vadd.f32 v11, v4  }
0x7b: {  	v4 =	vld [tilespmem:s28+$0xFFFFFE90];
	v3 =	vadd.f32 v12, v3;
	[tilespmem:s25+$0x190] =	vst v5  }
0x7c: {  	[tilespmem:s25+$0xFFFFFF00] =	vst v1;
	v1 =	vadd.f32 v8, v2;
	v2 =	vld [tilespmem:s28+$0x1A0]  }
0x7d: {  	v5 =	vld [tilespmem:s28+$0xFFFFFF10];
	[tilespmem:s25+$0xFFFFFF80] =	vst v3;
	v3 =	vadd.f32 v9, v6  }
0x7e: {  	[tilespmem:s25+$0x0] =	vst v1;
	v0 =	vadd.f32 v7, v0;
	v1 =	vld [tilespmem:s24+$0x1A0]  }
0x7f: {  	v6 =	vmul.f32 $8.000000000e+00, v10;
	v7 =	vld [tilespmem:s28+$0xFFFFFF90];
	[tilespmem:s25+$0x80] =	vst v3  }
0x80: {  	v3 =	vmul.f32 $8.000000000e+00, v4;
	v4 =	vld [tilespmem:s28+$0x10];
	[tilespmem:s25+$0x100] =	vst v0  }
0x81: {  	v0 =	vld [tilespmem:s28+$0x90];
	v2 =	vmul.f32 $8.000000000e+00, v2  }
0x82: {  	v5 =	vmul.f32 $8.000000000e+00, v5;
	v8 =	vld [tilespmem:s28+$0x110]  }
0x83: {  	v9 =	vld [tilespmem:s24+$0xFFFFFE10];
	v1 =	vadd.f32 v1, v2  }
0x84: {  	v2 =	vld [tilespmem:s24+$0xFFFFFE90];
	v7 =	vmul.f32 $8.000000000e+00, v7  }
0x85: {  	v10 =	vld [tilespmem:s24+$0xFFFFFF10];
	v4 =	vmul.f32 $8.000000000e+00, v4;
	[tilespmem:s25+$0x1A0] =	vst v1  }
0x86: {  	v0 =	vmul.f32 $8.000000000e+00, v0;
	v1 =	vld [tilespmem:s28+$0x1B0]  }
0x87: {  	v11 =	vld [tilespmem:s24+$0xFFFFFF90];
	v8 =	vmul.f32 $8.000000000e+00, v8  }
0x88: {  	v6 =	vadd.f32 v9, v6;
	v9 =	vld [tilespmem:s24+$0x1B0]  }
0x89: {  	v2 =	vadd.f32 v2, v3;
	v3 =	vld [tilespmem:s24+$0x10]  }
0x8a: {  	[tilespmem:s25+$0xFFFFFE10] =	vst v6;
	v5 =	vadd.f32 v10, v5;
	v6 =	vld [tilespmem:s24+$0x90]  }
0x8b: {  	[tilespmem:s25+$0xFFFFFE90] =	vst v2;
	v2 =	vld [tilespmem:s24+$0x110];
	v1 =	vmul.f32 $8.000000000e+00, v1  }
0x8c: {  	v10 =	vld [tilespmem:s28+$0xFFFFFE20];
	[tilespmem:s25+$0xFFFFFF10] =	vst v5;
	v5 =	vadd.f32 v11, v7  }
0x8d: {  	v7 =	vld [tilespmem:s28+$0xFFFFFEA0];
	v1 =	vadd.f32 v9, v1  }
0x8e: {  	v9 =	vld [tilespmem:s28+$0xFFFFFF20];
	[tilespmem:s25+$0xFFFFFF90] =	vst v5;
	v3 =	vadd.f32 v3, v4  }
0x8f: {  	v4 =	vld [tilespmem:s28+$0xFFFFFFA0];
	v0 =	vadd.f32 v6, v0;
	[tilespmem:s25+$0x1B0] =	vst v1  }
0x90: {  	v1 =	vld [tilespmem:s24+$0xFFFFFE20];
	[tilespmem:s25+$0x10] =	vst v3;
	v2 =	vadd.f32 v2, v8  }
0x91: {  	v3 =	vmul.f32 $8.000000000e+00, v10;
	v5 =	vld [tilespmem:s28+$0x20];
	[tilespmem:s25+$0x90] =	vst v0  }
0x92: {  	v0 =	vmul.f32 $8.000000000e+00, v7;
	v6 =	vld [tilespmem:s28+$0xA0];
	[tilespmem:s25+$0x110] =	vst v2  }
0x93: {  	v2 =	vmul.f32 $8.000000000e+00, v9;
	v7 =	vld [tilespmem:s28+$0x120]  }
0x94: {  	v8 =	vld [tilespmem:s24+$0xFFFFFEA0];
	v4 =	vmul.f32 $8.000000000e+00, v4  }
0x95: {  	v1 =	vadd.f32 v1, v3;
	v3 =	vld [tilespmem:s24+$0xFFFFFF20]  }
0x96: {  	v9 =	vld [tilespmem:s24+$0xFFFFFFA0];
	v5 =	vmul.f32 $8.000000000e+00, v5  }
0x97: {  	[tilespmem:s25+$0xFFFFFE20] =	vst v1;
	v1 =	vld [tilespmem:s24+$0x20];
	v6 =	vmul.f32 $8.000000000e+00, v6  }
0x98: {  	v10 =	vld [tilespmem:s24+$0xA0];
	v7 =	vmul.f32 $8.000000000e+00, v7  }
0x99: {  	v0 =	vadd.f32 v8, v0;
	v8 =	vld [tilespmem:s24+$0x120]  }
0x9a: {  	v11 =	vld [tilespmem:s28+$0xFFFFFE30];
	v2 =	vadd.f32 v3, v2  }
0x9b: {  	v3 =	vld [tilespmem:s24+$0xFFFFFE30];
	[tilespmem:s25+$0xFFFFFEA0] =	vst v0;
	v0 =	vadd.f32 v9, v4  }
0x9c: {  	v4 =	vld [tilespmem:s28+$0xFFFFFEB0];
	[tilespmem:s25+$0xFFFFFF20] =	vst v2;
	v1 =	vadd.f32 v1, v5  }
0x9d: {  	v2 =	vld [tilespmem:s28+$0xFFFFFF30];
	[tilespmem:s25+$0xFFFFFFA0] =	vst v0;
	v0 =	vadd.f32 v10, v6  }
0x9e: {  	v5 =	vld [tilespmem:s28+$0xFFFFFFB0];
	[tilespmem:s25+$0x20] =	vst v1;
	v1 =	vadd.f32 v8, v7  }
0x9f: {  	v6 =	vmul.f32 $8.000000000e+00, v11;
	v7 =	vld [tilespmem:s28+$0x30];
	[tilespmem:s25+$0xA0] =	vst v0  }
0xa0: {  	v0 =	vld [tilespmem:s28+$0xB0];
	[tilespmem:s25+$0x120] =	vst v1  }
0xa1: {  	v1 =	vadd.f32 v3, v6;
	v10 =	vmul.f32 $8.000000000e+00, v4;
	v11 =	vld [tilespmem:s28+$0x130]  }
0xa2: {  	v12 =	vld [tilespmem:s24+$0xFFFFFEB0];
	v8 =	vmul.f32 $8.000000000e+00, v2  }
.Ltmp2:
0xa3: {  	[tilespmem:s25+$0xFFFFFE30] =	vst v1;
	v6 =	vld [tilespmem:s24+$0xFFFFFF30];
	v9 =	vmul.f32 $8.000000000e+00, v5;
	(pc) =	sbr.rel @p0 .LBB2_3-.Ltmp2, $4  }
0xa4: {  	v1 =	vld [tilespmem:s24+$0xFFFFFFB0];
	v4 =	vmul.f32 $8.000000000e+00, v7  }
0xa5: {  	v2 =	vld [tilespmem:s24+$0x30];
	v5 =	vmul.f32 $8.000000000e+00, v0  }
0xa6: {  	v3 =	vld [tilespmem:s24+$0xB0];
	v0 =	vmul.f32 $8.000000000e+00, v11  }
0xa7: {  	s28 =	sadd.s32 $0x400, s28;
	v10 =	vadd.f32 v12, v10;
	v7 =	vld [tilespmem:s24+$0x130]  }
0xa8: {  	v6 =	vadd.f32 v6, v8  }
0xa9: {  	[tilespmem:s25+$0xFFFFFEB0] =	vst v10;
	v1 =	vadd.f32 v1, v9  }
0xaa: {  	s24 =	sshll.u32 s23, $0x1;
	[tilespmem:s25+$0xFFFFFF30] =	vst v6;
	v2 =	vadd.f32 v2, v4  }
0xab: {  	s26 =	sadd.s32 s6, s24;
	[tilespmem:s25+$0xFFFFFFB0] =	vst v1;
	v1 =	vadd.f32 v3, v5  }
0xac: {  	s26 =	smul.u32 $0xC80, s26;
	[tilespmem:s25+$0x30] =	vst v2;
	v0 =	vadd.f32 v7, v0  }
0xad: {  	[tilespmem:s25+$0xB0] =	vst v1  }
0xae: {  	p0 =	seq.s32 s23, $0xF;
	s31 =	sadd.s32 s5, s26;
	[tilespmem:s25+$0x130] =	vst v0  }
0xaf: {  	[hbm4b:s31+s2] =	stream.linear.scatter [tilespmem:s20], [sflag:$0x3], $0x6400, $0x38;
	[tilespmem:$0x1B000] =	vst v63  }
0xb0: {  	s25 =	sshll.u32 @!p0 s23, $0x9;
	_ =	swait.ge [sflag:s9], $0x6400  }
0xb1: {  	s28 =	simm.s32 @!p0 $0x64;
	s25 =	sand.u32 @!p0 $0x3FFFFE00, s25;
	[sflag:s9] =	ssyncset.done $0x0  }
0xb2: {  	s29 =	simm.s32 @!p0 $0x8400;
	s26 =	sadd.s32 @!p0 $0x200, s25;
	[sflag:s9] =	ssyncadd.s32 $0xFFFF9C00  }
0xb3: {  	[tilespmem:s29], [sflag:$0x1] =	stream.indirect.gather @!p0 [hbm4b:s4+s28], $0x80, s26, s28, $0xb8;
	[tilespmem:$0x1B000] =	vst v63  }
0xb4: {  	s25 =	sadd.s32 @!p0 $0x280, s25;
	s26 =	simm.s32 @!p0 $0xB600  }
0xb5: {  	[tilespmem:s26], [sflag:$0x1] =	stream.indirect.gather @!p0 [hbm4b:s4+s28], $0x80, s25, s28, $0xb8;
	[tilespmem:$0x1B000] =	vst v63  }
0xb6: {  	_ =	swait.ge [sflag:s21], $0x3200  }
0xb7: {  	[sflag:s21] =	ssyncset.done $0x0  }
0xb8: {  	[sflag:s21] =	ssyncadd.s32 $0xFFFFCE00  }
0xb9: {  	_ =	swait.ge [sflag:s21], $0x3200  }
0xba: {  	[sflag:s21] =	ssyncset.done $0x0  }
0xbb: {  	s28 =	simm.s32 $0xEA00;
	[sflag:s21] =	ssyncadd.s32 $0xFFFFCE00  }
0xbc: {  	v0 =	vld [tilespmem:s28+$0x180]  }
0xbd: {  	s26 =	simm.s32 $0x2200;
	v1 =	vld [tilespmem:s28+$0xFFFFFE80]  }
0xbe: {  	v2 =	vld [tilespmem:s26+$0x180]  }
0xbf: {  	v3 =	vld [tilespmem:s28+$0xFFFFFF00]  }
0xc0: {  	v4 =	vld [tilespmem:s28+$0xFFFFFF80]  }
0xc1: {  	v5 =	vld [tilespmem:s28+$0x0]  }
0xc2: {  	v6 =	vld [tilespmem:s28+$0x80]  }
0xc3: {  	v8 =	vld [tilespmem:s26+$0xFFFFFE00];
	v0 =	vmul.f32 $8.000000000e+00, v0  }
0xc4: {  	v9 =	vld [tilespmem:s26+$0xFFFFFE80]  }
0xc5: {  	v12 =	vld [tilespmem:s26+$0xFFFFFF80];
	v0 =	vadd.f32 v2, v0  }
0xc6: {  	s25 =	simm.s32 $0x14E00;
	v2 =	vld [tilespmem:s28+$0xFFFFFE00]  }
0xc7: {  	v11 =	vld [tilespmem:s26+$0xFFFFFF00];
	v1 =	vmul.f32 $8.000000000e+00, v1;
	[tilespmem:s25+$0x180] =	vst v0  }
0xc8: {  	v0 =	vld [tilespmem:s28+$0x190]  }
0xc9: {  	v7 =	vld [tilespmem:s28+$0x100];
	v4 =	vmul.f32 $8.000000000e+00, v4;
	v1 =	vadd.f32 v9, v1  }
0xca: {  	v3 =	vmul.f32 $8.000000000e+00, v3;
	v10 =	vld [tilespmem:s26+$0x190]  }
0xcb: {  	v9 =	vld [tilespmem:s26+$0x80];
	v4 =	vadd.f32 v12, v4;
	[tilespmem:s25+$0xFFFFFE80] =	vst v1;
	v2 =	vmul.f32 $8.000000000e+00, v2  }
0xcc: {  	v1 =	vadd.f32 v11, v3;
	v3 =	vmul.f32 $8.000000000e+00, v5;
	v5 =	vld [tilespmem:s28+$0xFFFFFE90]  }
0xcd: {  	[tilespmem:s25+$0xFFFFFF80] =	vst v4;
	v2 =	vadd.f32 v8, v2;
	v8 =	vld [tilespmem:s26+$0x0];
	v0 =	vmul.f32 $8.000000000e+00, v0  }
0xce: {  	v11 =	vld [tilespmem:s26+$0xFFFFFF90]  }
0xcf: {  	[tilespmem:s25+$0xFFFFFE00] =	vst v2;
	v2 =	vld [tilespmem:s26+$0x100];
	v0 =	vadd.f32 v10, v0  }
0xd0: {  	[tilespmem:s25+$0xFFFFFF00] =	vst v1;
	v10 =	vld [tilespmem:s28+$0xFFFFFE10]  }
0xd1: {  	[tilespmem:s25+$0x190] =	vst v0;
	v0 =	vmul.f32 $8.000000000e+00, v6;
	v6 =	vmul.f32 $8.000000000e+00, v7;
	v7 =	vld [tilespmem:s28+$0xFFFFFF10]  }
0xd2: {  	v3 =	vadd.f32 v8, v3;
	v8 =	vld [tilespmem:s26+$0xFFFFFE10]  }
0xd3: {  	v1 =	vld [tilespmem:s28+$0x1A0]  }
0xd4: {  	v4 =	vld [tilespmem:s26+$0x1A0]  }
0xd5: {  	v0 =	vadd.f32 v9, v0;
	v9 =	vld [tilespmem:s26+$0xFFFFFF10]  }
0xd6: {  	[tilespmem:s25+$0x0] =	vst v3;
	v2 =	vadd.f32 v2, v6;
	v3 =	vld [tilespmem:s28+$0xFFFFFF90]  }
0xd7: {  	v10 =	vmul.f32 $8.000000000e+00, v10;
	[tilespmem:s25+$0x80] =	vst v0;
	v0 =	vld [tilespmem:s28+$0x10]  }
0xd8: {  	[tilespmem:s25+$0x100] =	vst v2;
	v2 =	vld [tilespmem:s28+$0x90];
	v7 =	vmul.f32 $8.000000000e+00, v7  }
0xd9: {  	v6 =	vld [tilespmem:s28+$0x110];
	v8 =	vadd.f32 v8, v10;
	v1 =	vmul.f32 $8.000000000e+00, v1  }
0xda: {  	v10 =	vld [tilespmem:s26+$0x10];
	v7 =	vadd.f32 v9, v7  }
0xdb: {  	[tilespmem:s25+$0xFFFFFE10] =	vst v8;
	v8 =	vld [tilespmem:s26+$0x110];
	v1 =	vadd.f32 v4, v1  }
0xdc: {  	v3 =	vmul.f32 $8.000000000e+00, v3;
	v4 =	vld [tilespmem:s26+$0xFFFFFE90];
	[tilespmem:s25+$0xFFFFFF10] =	vst v7  }
0xdd: {  	[tilespmem:s25+$0x1A0] =	vst v1;
	v9 =	vld [tilespmem:s28+$0xFFFFFF20]  }
0xde: {  	v0 =	vmul.f32 $8.000000000e+00, v0;
	v3 =	vadd.f32 v11, v3;
	v1 =	vld [tilespmem:s28+$0x1B0]  }
0xdf: {  	v62 =	vld [tilespmem:s26+$0x1B0]  }
0xe0: {  	v5 =	vmul.f32 $8.000000000e+00, v5;
	[tilespmem:s25+$0xFFFFFF90] =	vst v3;
	v0 =	vadd.f32 v10, v0;
	v10 =	vld [tilespmem:s26+$0xFFFFFF20]  }
0xe1: {  	v3 =	vld [tilespmem:s28+$0xFFFFFFA0]  }
0xe2: {  	v6 =	vmul.f32 $8.000000000e+00, v6;
	v4 =	vadd.f32 v4, v5;
	v5 =	vld [tilespmem:s26+$0x90]  }
0xe3: {  	v11 =	vld [tilespmem:s26+$0xFFFFFFA0];
	[tilespmem:s25+$0x10] =	vst v0  }
0xe4: {  	v0 =	vadd.f32 v8, v6;
	v6 =	vld [tilespmem:s28+$0x20]  }
0xe5: {  	v2 =	vmul.f32 $8.000000000e+00, v2;
	[tilespmem:s25+$0xFFFFFE90] =	vst v4;
	v4 =	vld [tilespmem:s28+$0xFFFFFE20]  }
0xe6: {  	v7 =	vld [tilespmem:s28+$0xFFFFFEA0]  }
0xe7: {  	[tilespmem:s25+$0x110] =	vst v0;
	v2 =	vadd.f32 v5, v2;
	v5 =	vld [tilespmem:s26+$0xFFFFFE20]  }
0xe8: {  	v0 =	vld [tilespmem:s28+$0x120];
	v3 =	vmul.f32 $8.000000000e+00, v3  }
0xe9: {  	v8 =	vld [tilespmem:s26+$0xFFFFFEA0];
	[tilespmem:s25+$0x90] =	vst v2  }
0xea: {  	v3 =	vadd.f32 v11, v3;
	v4 =	vmul.f32 $8.000000000e+00, v4;
	v2 =	vld [tilespmem:s28+$0xA0]  }
0xeb: {  	v13 =	vld [tilespmem:s26+$0xA0]  }
0xec: {  	v7 =	vmul.f32 $8.000000000e+00, v7;
	[tilespmem:s25+$0xFFFFFFA0] =	vst v3;
	v4 =	vadd.f32 v5, v4;
	v5 =	vld [tilespmem:s26+$0x20]  }
0xed: {  	v9 =	vmul.f32 $8.000000000e+00, v9;
	v3 =	vld [tilespmem:s28+$0xFFFFFFB0]  }
0xee: {  	[tilespmem:s25+$0xFFFFFE20] =	vst v4;
	v4 =	vadd.f32 v8, v7;
	v7 =	vld [tilespmem:s26+$0x120]  }
0xef: {  	v6 =	vmul.f32 $8.000000000e+00, v6;
	v8 =	vadd.f32 v10, v9;
	v9 =	vld [tilespmem:s28+$0xFFFFFE30]  }
0xf0: {  	v2 =	vmul.f32 $8.000000000e+00, v2;
	[tilespmem:s25+$0xFFFFFEA0] =	vst v4;
	v4 =	vld [tilespmem:s26+$0xFFFFFE30]  }
0xf1: {  	v0 =	vmul.f32 $8.000000000e+00, v0;
	[tilespmem:s25+$0xFFFFFF20] =	vst v8;
	v10 =	vld [tilespmem:s28+$0xFFFFFEB0];
	v5 =	vadd.f32 v5, v6  }
0xf2: {  	v8 =	vld [tilespmem:s28+$0xFFFFFF30];
	v2 =	vadd.f32 v13, v2  }
0xf3: {  	v11 =	vld [tilespmem:s26+$0xFFFFFEB0];
	[tilespmem:s25+$0x20] =	vst v5;
	v0 =	vadd.f32 v7, v0  }
0xf4: {  	[tilespmem:s25+$0xA0] =	vst v2;
	v5 =	vld [tilespmem:s28+$0x30]  }
0xf5: {  	v7 =	vld [tilespmem:s28+$0xB0];
	[tilespmem:s25+$0x120] =	vst v0  }
0xf6: {  	v1 =	vmul.f32 $8.000000000e+00, v1;
	v0 =	vld [tilespmem:s28+$0x130]  }
0xf7: {  	v6 =	vld [tilespmem:s26+$0xFFFFFF30];
	v2 =	vmul.f32 $8.000000000e+00, v9  }
0xf8: {  	v9 =	vadd.f32 v62, v1;
	v1 =	vld [tilespmem:s26+$0xFFFFFFB0]  }
0xf9: {  	v63 =	vadd.f32 v4, v2;
	v10 =	vmul.f32 $8.000000000e+00, v10;
	v8 =	vmul.f32 $8.000000000e+00, v8;
	v2 =	vld [tilespmem:s26+$0x30]  }
0xfa: {  	[tilespmem:s25+$0x1B0] =	vst v9;
	v9 =	vmul.f32 $8.000000000e+00, v3;
	v3 =	vld [tilespmem:s26+$0xB0];
	v4 =	vmul.f32 $8.000000000e+00, v5  }
0xfb: {  	s29 =	simm.s32 $0xEE00;
	s28 =	simm.s32 $0x0;
	[tilespmem:s25+$0xFFFFFE30] =	vst v63;
	v10 =	vadd.f32 v11, v10;
	v5 =	vmul.f32 $8.000000000e+00, v7;
	v7 =	vld [tilespmem:s26+$0x130];
	v0 =	vmul.f32 $8.000000000e+00, v0  }
.LBB2_5:
0xfc: {  	v11 =	vld [tilespmem:s29+$0x180];
	s28 =	sadd.s32 $0x8, s28;
	v6 =	vadd.f32 v6, v8  }
0xfd: {  	s26 =	sadd.s32 $0x400, s26;
	v8 =	vld [tilespmem:s29+$0xFFFFFE80];
	p1 =	slt.u32 s28, $0xC0;
	[tilespmem:s25+$0xFFFFFEB0] =	vst v10;
	v1 =	vadd.f32 v1, v9  }
0xfe: {  	v9 =	vld [tilespmem:s26+$0x180];
	[tilespmem:s25+$0xFFFFFF30] =	vst v6;
	v2 =	vadd.f32 v2, v4  }
0xff: {  	v4 =	vld [tilespmem:s29+$0xFFFFFF00];
	[tilespmem:s25+$0xFFFFFFB0] =	vst v1;
	v1 =	vadd.f32 v3, v5  }
0x100: {  	v3 =	vld [tilespmem:s29+$0xFFFFFF80];
	[tilespmem:s25+$0x30] =	vst v2;
	v0 =	vadd.f32 v7, v0  }
0x101: {  	v2 =	vld [tilespmem:s29+$0x0];
	v5 =	vmul.f32 $8.000000000e+00, v11;
	[tilespmem:s25+$0xB0] =	vst v1  }
0x102: {  	v1 =	vmul.f32 $8.000000000e+00, v8;
	v6 =	vld [tilespmem:s29+$0x80];
	[tilespmem:s25+$0x130] =	vst v0  }
0x103: {  	v0 =	vld [tilespmem:s29+$0x100];
	v5 =	vadd.f32 v9, v5  }
0x104: {  	s25 =	sadd.s32 $0x400, s25;
	v7 =	vld [tilespmem:s29+$0xFFFFFE00];
	v4 =	vmul.f32 $8.000000000e+00, v4  }
0x105: {  	v8 =	vld [tilespmem:s26+$0xFFFFFE00];
	v3 =	vmul.f32 $8.000000000e+00, v3;
	[tilespmem:s25+$0x180] =	vst v5  }
0x106: {  	v2 =	vmul.f32 $8.000000000e+00, v2;
	v5 =	vld [tilespmem:s29+$0x190]  }
0x107: {  	v9 =	vld [tilespmem:s26+$0xFFFFFE80];
	v6 =	vmul.f32 $8.000000000e+00, v6  }
0x108: {  	v0 =	vmul.f32 $8.000000000e+00, v0;
	v10 =	vld [tilespmem:s26+$0x190]  }
0x109: {  	v7 =	vmul.f32 $8.000000000e+00, v7;
	v11 =	vld [tilespmem:s26+$0xFFFFFF00]  }
0x10a: {  	v12 =	vld [tilespmem:s26+$0xFFFFFF80]  }
0x10b: {  	v7 =	vadd.f32 v8, v7;
	v8 =	vld [tilespmem:s26+$0x0];
	v5 =	vmul.f32 $8.000000000e+00, v5  }
0x10c: {  	v1 =	vadd.f32 v9, v1;
	v9 =	vld [tilespmem:s26+$0x80]  }
0x10d: {  	[tilespmem:s25+$0xFFFFFE00] =	vst v7;
	v7 =	vld [tilespmem:s26+$0x100];
	v5 =	vadd.f32 v10, v5  }
0x10e: {  	v10 =	vld [tilespmem:s29+$0xFFFFFE10];
	[tilespmem:s25+$0xFFFFFE80] =	vst v1;
	v1 =	vadd.f32 v11, v4  }
0x10f: {  	v4 =	vld [tilespmem:s29+$0xFFFFFE90];
	v3 =	vadd.f32 v12, v3;
	[tilespmem:s25+$0x190] =	vst v5  }
0x110: {  	[tilespmem:s25+$0xFFFFFF00] =	vst v1;
	v1 =	vadd.f32 v8, v2;
	v2 =	vld [tilespmem:s29+$0x1A0]  }
0x111: {  	v5 =	vld [tilespmem:s29+$0xFFFFFF10];
	[tilespmem:s25+$0xFFFFFF80] =	vst v3;
	v3 =	vadd.f32 v9, v6  }
0x112: {  	[tilespmem:s25+$0x0] =	vst v1;
	v0 =	vadd.f32 v7, v0;
	v1 =	vld [tilespmem:s26+$0x1A0]  }
0x113: {  	v6 =	vmul.f32 $8.000000000e+00, v10;
	v7 =	vld [tilespmem:s29+$0xFFFFFF90];
	[tilespmem:s25+$0x80] =	vst v3  }
0x114: {  	v3 =	vmul.f32 $8.000000000e+00, v4;
	v4 =	vld [tilespmem:s29+$0x10];
	[tilespmem:s25+$0x100] =	vst v0  }
0x115: {  	v0 =	vld [tilespmem:s29+$0x90];
	v2 =	vmul.f32 $8.000000000e+00, v2  }
0x116: {  	v5 =	vmul.f32 $8.000000000e+00, v5;
	v8 =	vld [tilespmem:s29+$0x110]  }
0x117: {  	v9 =	vld [tilespmem:s26+$0xFFFFFE10];
	v1 =	vadd.f32 v1, v2  }
0x118: {  	v2 =	vld [tilespmem:s26+$0xFFFFFE90];
	v7 =	vmul.f32 $8.000000000e+00, v7  }
0x119: {  	v10 =	vld [tilespmem:s26+$0xFFFFFF10];
	v4 =	vmul.f32 $8.000000000e+00, v4;
	[tilespmem:s25+$0x1A0] =	vst v1  }
0x11a: {  	v0 =	vmul.f32 $8.000000000e+00, v0;
	v1 =	vld [tilespmem:s29+$0x1B0]  }
0x11b: {  	v11 =	vld [tilespmem:s26+$0xFFFFFF90];
	v8 =	vmul.f32 $8.000000000e+00, v8  }
0x11c: {  	v6 =	vadd.f32 v9, v6;
	v9 =	vld [tilespmem:s26+$0x1B0]  }
0x11d: {  	v2 =	vadd.f32 v2, v3;
	v3 =	vld [tilespmem:s26+$0x10]  }
0x11e: {  	[tilespmem:s25+$0xFFFFFE10] =	vst v6;
	v5 =	vadd.f32 v10, v5;
	v6 =	vld [tilespmem:s26+$0x90]  }
0x11f: {  	[tilespmem:s25+$0xFFFFFE90] =	vst v2;
	v2 =	vld [tilespmem:s26+$0x110];
	v1 =	vmul.f32 $8.000000000e+00, v1  }
0x120: {  	v10 =	vld [tilespmem:s29+$0xFFFFFE20];
	[tilespmem:s25+$0xFFFFFF10] =	vst v5;
	v5 =	vadd.f32 v11, v7  }
0x121: {  	v7 =	vld [tilespmem:s29+$0xFFFFFEA0];
	v1 =	vadd.f32 v9, v1  }
0x122: {  	v9 =	vld [tilespmem:s29+$0xFFFFFF20];
	[tilespmem:s25+$0xFFFFFF90] =	vst v5;
	v3 =	vadd.f32 v3, v4  }
0x123: {  	v4 =	vld [tilespmem:s29+$0xFFFFFFA0];
	v0 =	vadd.f32 v6, v0;
	[tilespmem:s25+$0x1B0] =	vst v1  }
0x124: {  	v1 =	vld [tilespmem:s26+$0xFFFFFE20];
	[tilespmem:s25+$0x10] =	vst v3;
	v2 =	vadd.f32 v2, v8  }
0x125: {  	v3 =	vmul.f32 $8.000000000e+00, v10;
	v5 =	vld [tilespmem:s29+$0x20];
	[tilespmem:s25+$0x90] =	vst v0  }
0x126: {  	v0 =	vmul.f32 $8.000000000e+00, v7;
	v6 =	vld [tilespmem:s29+$0xA0];
	[tilespmem:s25+$0x110] =	vst v2  }
0x127: {  	v2 =	vmul.f32 $8.000000000e+00, v9;
	v7 =	vld [tilespmem:s29+$0x120]  }
0x128: {  	v8 =	vld [tilespmem:s26+$0xFFFFFEA0];
	v4 =	vmul.f32 $8.000000000e+00, v4  }
0x129: {  	v1 =	vadd.f32 v1, v3;
	v3 =	vld [tilespmem:s26+$0xFFFFFF20]  }
0x12a: {  	v9 =	vld [tilespmem:s26+$0xFFFFFFA0];
	v5 =	vmul.f32 $8.000000000e+00, v5  }
0x12b: {  	[tilespmem:s25+$0xFFFFFE20] =	vst v1;
	v1 =	vld [tilespmem:s26+$0x20];
	v6 =	vmul.f32 $8.000000000e+00, v6  }
0x12c: {  	v10 =	vld [tilespmem:s26+$0xA0];
	v7 =	vmul.f32 $8.000000000e+00, v7  }
0x12d: {  	v0 =	vadd.f32 v8, v0;
	v8 =	vld [tilespmem:s26+$0x120]  }
0x12e: {  	v11 =	vld [tilespmem:s29+$0xFFFFFE30];
	v2 =	vadd.f32 v3, v2  }
0x12f: {  	v3 =	vld [tilespmem:s26+$0xFFFFFE30];
	[tilespmem:s25+$0xFFFFFEA0] =	vst v0;
	v0 =	vadd.f32 v9, v4  }
0x130: {  	v4 =	vld [tilespmem:s29+$0xFFFFFEB0];
	[tilespmem:s25+$0xFFFFFF20] =	vst v2;
	v1 =	vadd.f32 v1, v5  }
0x131: {  	v2 =	vld [tilespmem:s29+$0xFFFFFF30];
	[tilespmem:s25+$0xFFFFFFA0] =	vst v0;
	v0 =	vadd.f32 v10, v6  }
0x132: {  	v5 =	vld [tilespmem:s29+$0xFFFFFFB0];
	[tilespmem:s25+$0x20] =	vst v1;
	v1 =	vadd.f32 v8, v7  }
0x133: {  	v6 =	vmul.f32 $8.000000000e+00, v11;
	v7 =	vld [tilespmem:s29+$0x30];
	[tilespmem:s25+$0xA0] =	vst v0  }
0x134: {  	v0 =	vld [tilespmem:s29+$0xB0];
	[tilespmem:s25+$0x120] =	vst v1  }
0x135: {  	v1 =	vadd.f32 v3, v6;
	v10 =	vmul.f32 $8.000000000e+00, v4;
	v11 =	vld [tilespmem:s29+$0x130]  }
0x136: {  	v12 =	vld [tilespmem:s26+$0xFFFFFEB0];
	v8 =	vmul.f32 $8.000000000e+00, v2  }
.Ltmp3:
0x137: {  	[tilespmem:s25+$0xFFFFFE30] =	vst v1;
	v6 =	vld [tilespmem:s26+$0xFFFFFF30];
	v9 =	vmul.f32 $8.000000000e+00, v5;
	(pc) =	sbr.rel @p1 .LBB2_5-.Ltmp3, $4  }
0x138: {  	v1 =	vld [tilespmem:s26+$0xFFFFFFB0];
	v4 =	vmul.f32 $8.000000000e+00, v7  }
0x139: {  	v2 =	vld [tilespmem:s26+$0x30];
	v5 =	vmul.f32 $8.000000000e+00, v0  }
0x13a: {  	v3 =	vld [tilespmem:s26+$0xB0];
	v0 =	vmul.f32 $8.000000000e+00, v11  }
0x13b: {  	s29 =	sadd.s32 $0x400, s29;
	v10 =	vadd.f32 v12, v10;
	v7 =	vld [tilespmem:s26+$0x130]  }
0x13c: {  	v6 =	vadd.f32 v6, v8  }
0x13d: {  	[tilespmem:s25+$0xFFFFFEB0] =	vst v10;
	v1 =	vadd.f32 v1, v9  }
0x13e: {  	s24 =	sadd.s32 s24, s6;
	[tilespmem:s25+$0xFFFFFF30] =	vst v6;
	v2 =	vadd.f32 v2, v4  }
0x13f: {  	s24 =	smul.u32 $0xC80, s24;
	[tilespmem:s25+$0xFFFFFFB0] =	vst v1;
	v63 =	vadd.f32 v3, v5  }
0x140: {  	[tilespmem:s25+$0x30] =	vst v2;
	v0 =	vadd.f32 v7, v0  }
0x141: {  	s24 =	sadd.s32 s5, s24;
	[tilespmem:s25+$0xB0] =	vst v63  }
.Ltmp4:
0x142: {  	s24 =	sadd.s32 $0xC80, s24;
	[tilespmem:s25+$0x130] =	vst v0;
	(pc) =	sbr.rel @p0 .LBB2_8-.Ltmp4, $4  }
0x143: {  	[hbm4b:s24+s2] =	stream.linear.scatter [tilespmem:s20], [sflag:$0x3], $0x6400, $0x38;
	[tilespmem:$0x1B000] =	vst v63  }
0x144: {  	_ =	swait.ge [sflag:s9], $0x6400  }
0x145: {  	[sflag:s9] =	ssyncset.done $0x0  }
0x146: {  	[sflag:s9] =	ssyncadd.s32 $0xFFFF9C00  }
0x147: {  	s24 =	sshll.u32 s23, $0x9  }
.Ltmp5:
0x148: {  	s24 =	sand.u32 $0x3FFFFE00, s24;
	(pc) =	sbr.rel .LBB2_2-.Ltmp5, $4  }
0x149: {  	s25 =	sadd.s32 $0x300, s24  }
0x14a: {  	[tilespmem:s16], [sflag:$0x2] =	stream.indirect.gather [hbm4b:s4+s11], $0x80, s25, s11, $0xb8;
	[tilespmem:$0x1B000] =	vst v63  }
0x14b: {  	s23 =	sadd.s32 $0x1, s23;
	s24 =	sadd.s32 $0x380, s24  }
0x14c: {  	[tilespmem:s18], [sflag:$0x2] =	stream.indirect.gather [hbm4b:s4+s11], $0x80, s24, s11, $0xb8;
	[tilespmem:$0x1B000] =	vst v63  }
.LBB2_9:
0x14d: {  	_ =	sfence.sel $0x180000  }
0x14e: {  	[bflag:$0x0] =	sbarrier.arrive $0xFFFF  }
0x14f: {  	p0 =	sne.s32 s1, $0x0;
	_ =	strace $0x90000047  }
0x150: {  	s0 =	sadd.s32 @!p0 $0x100000, s0;
	[bflag:$0x2] =	sbarrier.arrive $0xFFFF  }
0x151: {  	[sflag:s0] =	ssyncadd.tile.s32 @!p0 $0x1;
	_ =	shalt  }
.Lfunc_end2:
_tile_overlayer_lowered:
.L_overlay_start_2:
0x152: {  	(tag) =	ssettag $0x2  }
0x153: {  	s0 =	rddreg [dreg:$0x0];
	s2 =	stileid.u32  }
0x154: {  	s1 =	rddreg [dreg:$0x1];
	p0 =	sne.s32 s2, $0x0  }
0x155: {  	s3 =	rddreg [dreg:$0x2];
	[bflag:$0x3] =	sbarrier.arrive $0xFFFF;
	s2 =	simm.s32 @!p0 $0x1C03  }
0x156: {  	[timem:s3], [sflag:s2] =	dma.local @!p0 [hbm:s0], s1  }
0x157: {  	s0 =	simm.s32 @!p0 $0x3  }
0x158: {  	_ =	swait.ge @!p0 [sflag:s0], s1  }
0x159: {  	s1 =	ssub.s32 @!p0 $0x0, s1;
	[sflag:s0] =	ssyncset.done @!p0 $0x0  }
0x15a: {  	[sflag:s0] =	ssyncadd.s32 @!p0 s1  }
0x15b: {  	[bflag:$0x3] =	sbarrier.arrive $0xFFFF  }
0x15c: {  	_ =	shalt  }

// kernel: sparse-core-data-format-call.cloned.1.call-start
scs
called_computation_lowered:
.L_overlay_start_0:
0x0: {  	s2 =	sld [smem:$0x3FD9]  }
0x1: {  	s3 =	sld [smem:$0x3FFE];
	_ =	sdelay $0x1  }
0x2: {  	s1 =	srdreg.scid  }
0x3: {  	s0 =	sand.u32 $0x1, s1  }
0x4: {  	s18 =	sshll.u32 s0, $0xA;
	s2 =	sadd.s32 s3, s2  }
0x5: {  	s2 =	sadd.s32 s2, s18  }
0x6: {  	[smem:$0x3FC6] =	sst s2  }
0x7: {  	_ = 	snop  }
0x8: {  	s2 =	sld [smem:$0x3FD0];
	(tm) =	ssettm $0x1  }
0x9: {  	s19 =	sld [smem:$0x3FFB];
	_ =	sdelay $0x3  }
0xa: {  	_ =	strace s19  }
0xb: {  	s3 =	sld [smem:$0x3FFC];
	_ =	sdelay $0x3  }
0xc: {  	_ =	strace s3  }
0xd: {  	s3 =	sld [smem:$0x3FFD];
	_ =	sdelay $0x3  }
0xe: {  	_ =	strace s3  }
0xf: {  	_ =	strace $0x8FFFFFFF  }
0x10: {  	s20 =	sld [smem:$0x3FDB];
	_ =	sdelay $0x1  }
0x11: {  	s4 =	simm.s32 $_scs_section_size  }
0x12: {  	s5 =	simm.s32 $_size__tile_overlayer_lowered;
	s6 =	simm.s32 $_tile_overlayer_lowered  }
0x13: {  	s23 =	simm.s32 $0x1BFF;
	s22 =	sshll.u32 s6, $0x1;
	s3 =	sadd.s32 s4, s20  }
0x14: {  	s7 =	simm.s32 $0x0;
	s21 =	sshll.u32 s5, $0x1;
	s5 =	sadd.s32 s22, s3  }
0x15: {  	[timem:s7], [sflag:s23] =	dma.local [hbm:s5], s21  }
0x16: {  	_ =	swait.ge [sflag:s23], s21  }
0x17: {  	s4 =	ssub.s32 $0x0, s21;
	[sflag:s23] =	ssyncset.done $0x0  }
0x18: {  	[sflag:s23] =	ssyncadd.s32 s4;
	_ =	sdelay $0x1  }
0x19: {  	s24 =	simm.s32 $0x1B8B  }
0x1a: {  	_ =	swait.ge [sflag:s24], $0x1  }
0x1b: {  	[sflag:s24] =	ssyncset.done $0x0  }
0x1c: {  	s26 =	simm.s32 $0x1B8E;
	s25 =	sld [smem:$0x3FFE];
	[sflag:s24] =	ssyncadd.s32 $0xFFFFFFFF  }
0x1d: {  	s27 =	simm.s32 $execute0_lowered;
	[smem:$0x3FD2] =	sst s26  }
0x1e: {  	s5 =	sshll.u32 s27, $0x1;
	_ =	strace $0x80000049;
	[dreg:$0x1] =	wrdreg $0xFFFFFFFF  }
0x1f: {  	s28 =	simm.s32 $_size_execute0_lowered;
	s3 =	sadd.s32 s3, s5;
	[dreg:$0x0] =	wrdreg $0x0  }
0x20: {  	s5 =	sshll.u32 s28, $0x1;
	[dreg:$0x2] =	wrdreg s3  }
0x21: {  	[dreg:$0x3] =	wrdreg s5  }
0x22: {  	[dreg:$0x4] =	wrdreg $0xC0  }
0x23: {  	_ =	task [dreg:s7], $0x5FFFF  }
0x24: {  	[dreg:$0x1] =	wrdreg $0xFFFFFFFF  }
0x25: {  	[dreg:$0x0] =	wrdreg $0x60  }
0x26: {  	[dreg:$0x2] =	wrdreg s25  }
0x27: {  	[dreg:$0x3] =	wrdreg s2  }
0x28: {  	[dreg:$0x4] =	wrdreg $0x9  }
0x29: {  	_ =	task.clear_ibuf [dreg:s7], $0x5FFFF;
	_ =	strace $0x90000049  }
0x2a: {  	s29 =	simm.s32 $0x9;
	_ =	strace $0x8000004B  }
0x2b: {  	_ =	swait.ge [sflag:s29], $0x1  }
0x2c: {  	[sflag:s29] =	ssyncadd.s32 $0xFFFFFFFF  }
0x2d: {  	_ =	strace $0x9000004B  }
0x2e: {  	_ =	sfence  }
0x2f: {  	s30 =	sld [smem:$0x0];
	_ =	sdelay $0x2  }
0x30: {  	s31 =	sshll.u32 s1, $0xD;
	s1 =	sshrl.u32 s1, $0x2  }
0x31: {  	s3 =	sand.u32 $0x4000, s31;
	s1 =	sadd.s32 s1, s30  }
0x32: {  	s0 =	sor.u32 s3, s0;
	s1 =	sshll.u32 s1, $0x11  }
0x33: {  	s0 =	sor.u32 s1, s0  }
0x34: {  	s0 =	sadd.s32 $0x8F2B, s0  }
0x35: {  	[sflag:s0] =	ssyncadd.remote.s32 $0x1  }
0x36: {  	_ =	sfence.sel $0xFFFF  }
0x37: {  	[dreg:$0x0] =	wrdreg $0xFFFFFFFF;
	(pc) =	sbr.abs _section_cstart, $3  }
0x38: {  	[dreg:$0x1] =	wrdreg $0xFFFFFFFF  }
0x39: {  	_ =	task.clear_ibuf [dreg:s7], $0x2FFFF;
	_ =	strace $0x9FFFFFFF  }
0x3a: {  	(tm) =	ssettm $0x7FFFFFFF  }
0x3b: {  	_ =	shalt  }
tec
execute0_lowered:
.L_overlay_start_1:
0x0: {  	(tag) =	ssettag $0x1  }
0x1: {  	s0 =	stileid.u32;
	s6 =	rddreg [dreg:$0x0]  }
0x2: {  	s2 =	rddreg [dreg:$0x1];
	s5 =	srdreg.scid  }
0x3: {  	s31 =	simm.s32 $0x2;
	s13 =	simm.s32 $0x0;
	s1 =	sshll.u32 s0, $0x7  }
0x4: {  	s14 =	simm.s32 $0x0;
	s12 =	simm.s32 $0x0;
	s3 =	sand.u32 $0x380, s1  }
0x5: {  	s5 =	sshll.u32 s5, $0x4;
	s6 =	sadd.s32 $0xF43C00, s6;
	s4 =	ssub.s32 $0x400, s3  }
0x6: {  	s1 =	rddreg [dreg:$0x2];
	_ =	strace $0x8000004A;
	s7 =	sand.u32 $0x380, s4  }
0x7: {  	s5 =	sand.u32 $0x10, s5;
	p0 =	sne.s32 s7, $0x0;
	s7 =	simm.s32 $0x1  }
.Ltmp0:
0x8: {  	s8 =	sshrl.u32 s4, $0xA;
	s7 =	simm.s32 @!p0 $0x0;
	(pc) =	sbr.rel .LBB1_1-.Ltmp0, $4  }
0x9: {  	s9 =	sor.u32 s0, s5;
	s4 =	simm.s32 $0x1;
	s30 =	sadd.s32 s7, s8  }
0xa: {  	s11 =	smov.u32 s3;
	[sflag:s4] =	ssyncpa.u1 $0x0;
	s5 =	smul.u32 $0x32, s30  }
0xb: {  	[sflag:s31] =	ssyncpa.u1 $0x0;
	p0 =	por $0x0, $0x0;
	s7 =	sshrl.u32 s9, $0x3  }
0xc: {  	s9 =	simm.s32 $0x2000;
	s10 =	smov.u32 s7;
	s8 =	sor.u32 $0x1, s5  }
.LBB1_4:
0xd: {  	s17 =	sand.u32 $0x1F80, s14;
	s13 =	sshll.u32 s13, $0xD  }
0xe: {  	[tilespmem:s16+$0x810 ss:$0x81] =	vst.msk $0xffff, v2;
	s18 =	sshrl.u32 s14, $0x3;
	s31 =	sand.u32 $0x7, s14;
	s17 =	sadd.s32 s2, s17  }
0xf: {  	[tilespmem:s16+$0x1020 ss:$0x81] =	vst.msk $0xffff, v0;
	s18 =	sand.u32 $0xF, s18;
	s14 =	sshll.u32 s31, $0x12;
	s13 =	sadd.s32 s13, s17  }
0x10: {  	[tilespmem:s16+$0x0 ss:$0x81] =	vst.msk $0xffff, v1;
	s14 =	sor.u32 $0x400, s14;
	s13 =	sadd.s32 s18, s13  }
0x11: {  	[hbm4b:s13+s14] =	stream.strided.scatter [tilespmem:s15], [sflag:$0x2], $0x2000, s9, s14, $0x20;
	[tilespmem:$0x8080] =	vst v63  }
.LBB1_5:
0x12: {  	s15 =	sadd.s32 $0x4, s10  }
0x13: {  	s13 =	sadd.s32 $0x400, s11;
	s17 =	smov.u32 s11;
	p2 =	sgt.s32 s15, $0xC7  }
0x14: {  	s17 =	smov.u32 @p2 s13  }
0x15: {  	s15 =	smov.u32 @p2 s7;
	p2 =	sgt.s32 s17, $0x3FF  }
0x16: {  	s17 =	smov.u32 @p2 s3;
	p2 =	sne.s32 s12, s8  }
.Ltmp1:
0x17: {  	p1 =	slt.u32 s12, $0x2;
	(pc) =	sbr.rel @!p2 .LBB1_6-.Ltmp1, $4  }
0x18: {  	s16 =	simm.s32 @!p1 $0x2  }
0x19: {  	s14 =	smov.u32 s11;
	p0 =	por !p0, !p0;
	_ =	swait.ge @!p1 [sflag:s16], $0x2000  }
0x1a: {  	s13 =	smov.u32 s10;
	[sflag:s16] =	ssyncset.done @!p1 $0x0;
	s10 =	smov.u32 s15  }
0x1b: {  	s12 =	sadd.s32 $0x1, s12;
	[sflag:s16] =	ssyncadd.s32 @!p1 $0xFFFFE000;
	s11 =	smov.u32 s17  }
.LBB1_1:
0x1c: {  	p1 =	sge.u32 s12, s5  }
0x1d: {  	s15 =	sand.u32 @!p1 $0x1FFFFFF, s10  }
0x1e: {  	s16 =	smulhi.u32 @!p1 $0x147AE15, s15;
	_ =	sdelay $0x1  }
0x1f: {  	s16 =	smul.u32 @!p1 $0xC8, s16  }
0x20: {  	s17 =	sxor.u32 @!p1 $0xFFFFFFFF, s12;
	s18 =	smul.u32 @!p1 $0xC80, s11  }
0x21: {  	s31 =	sadd.s32 $0xFFFFFFFF, s12;
	s17 =	sshll.u32 @!p1 s17, $0xD;
	s15 =	ssub.s32 @!p1 s15, s16  }
0x22: {  	s16 =	sand.u32 @!p1 $0x2000, s17;
	s17 =	sadd.s32 @!p1 s6, s18;
	s15 =	sshll.u32 @!p1 s15, $0x4  }
0x23: {  	s18 =	simm.s32 @!p1 $0x6400;
	s15 =	sadd.s32 @!p1 s15, s17;
	s17 =	simm.s32 @!p1 $0x40  }
0x24: {  	[tilespmem:s16], [sflag:$0x1] =	stream.strided.gather @!p1 [hbm4b:s15+s17], $0x2000, s18, s17, $0x38;
	[tilespmem:$0x8080] =	vst v63  }
0x25: {  	p1 =	sge.u32 s31, s5  }
.Ltmp2:
0x26: {  	_ = 	snop;
	(pc) =	sbr.rel @p1 .LBB1_5-.Ltmp2, $1  }
0x27: {  	_ =	sdelay $0x3  }
0x28: {  	s15 =	simm.s32 $0x1  }
0x29: {  	_ =	swait.ge [sflag:s4], $0x2000;
	s15 =	simm.s32 @!p0 $0x0  }
0x2a: {  	[sflag:s4] =	ssyncset.done $0x0;
	s16 =	sshll.u32 s15, $0xD  }
0x2b: {  	[sflag:s4] =	ssyncadd.s32 $0xFFFFE000;
	s19 =	sor.u32 $0x20, s16  }
0x2c: {  	s15 =	smul.u32 $0x8100, s15;
	v3 =	vld [tilespmem:s19+$0x10]  }
0x2d: {  	s30 =	sand.u32 $0x1, s12;
	v2 =	vld [tilespmem:s19+$0xFFFFFFF0]  }
0x2e: {  	s16 =	smul.u32 $0x8100, s30;
	s15 =	sshrl.u32 s15, $0x2;
	v0 =	vld [tilespmem:s19+$0x0]  }
0x2f: {  	v1 =	vld [tilespmem:s19+$0xFFFFFFE0];
	s17 =	sor.u32 $0x4000, s15  }
0x30: {  	s31 =	sshrl.u32 s16, $0x2;
	s16 =	sadd.s32 $0x0, s17  }
0x31: {  	s18 =	simm.s32 $0x4;
	s19 =	sadd.s32 $0x40, s19;
	s15 =	sor.u32 $0x4000, s31;
	[tilespmem:s16+$0x1830 ss:$0x81] =	vst.msk $0xffff, v3  }
.LBB1_3:
0x32: {  	v3 =	vld [tilespmem:s19+$0x10];
	p1 =	sne.s32 s18, $0x1FC;
	[tilespmem:s16+$0x810 ss:$0x81] =	vst.msk $0xffff, v2;
	s20 =	smov.u32 s18;
	s18 =	sadd.s32 $0x4, s18  }
.Ltmp3:
0x33: {  	v2 =	vld [tilespmem:s19+$0xFFFFFFF0];
	[tilespmem:s16+$0x1020 ss:$0x81] =	vst.msk $0xffff, v0;
	(pc) =	sbr.rel @p1 .LBB1_3-.Ltmp3, $4  }
0x34: {  	v0 =	vld [tilespmem:s19+$0x0];
	[tilespmem:s16+$0x0 ss:$0x81] =	vst.msk $0xffff, v1  }
0x35: {  	s16 =	sshra.s32 s20, $0x2;
	v1 =	vld [tilespmem:s19+$0xFFFFFFE0]  }
0x36: {  	s16 =	sadd.s32 s16, s17  }
0x37: {  	s19 =	sadd.s32 $0x40, s19;
	[tilespmem:s16+$0x1830 ss:$0x81] =	vst.msk $0xffff, v3  }
.Ltmp4:
0x38: {  	_ = 	snop;
	(pc) =	sbr.rel .LBB1_4-.Ltmp4, $1  }
0x39: {  	_ =	sdelay $0x3  }
.LBB1_6:
0x3a: {  	_ =	sfence.sel $0x180000  }
0x3b: {  	s2 =	simm.s32 $0x1;
	[bflag:$0x0] =	sbarrier.arrive $0xFFFF  }
0x3c: {  	s31 =	simm.s32 $0x2;
	[sflag:s2] =	ssyncpa.u1 $0x1  }
0x3d: {  	[sflag:s31] =	ssyncpa.u1 $0x1  }
0x3e: {  	p0 =	sne.s32 s0, $0x0;
	_ =	strace $0x9000004A  }
0x3f: {  	s0 =	sadd.s32 @!p0 $0x100000, s1;
	[bflag:$0x2] =	sbarrier.arrive $0xFFFF  }
0x40: {  	[sflag:s0] =	ssyncadd.tile.s32 @!p0 $0x1;
	_ =	shalt  }
.Lfunc_end1:
_tile_overlayer_lowered:
.L_overlay_start_2:
0x41: {  	(tag) =	ssettag $0x2  }
0x42: {  	s0 =	rddreg [dreg:$0x0];
	s2 =	stileid.u32  }
0x43: {  	s1 =	rddreg [dreg:$0x1];
	p0 =	sne.s32 s2, $0x0  }
0x44: {  	s3 =	rddreg [dreg:$0x2];
	[bflag:$0x3] =	sbarrier.arrive $0xFFFF;
	s2 =	simm.s32 @!p0 $0x1C01  }
0x45: {  	[timem:s3], [sflag:s2] =	dma.local @!p0 [hbm:s0], s1  }
0x46: {  	s0 =	simm.s32 @!p0 $0x1  }
0x47: {  	_ =	swait.ge @!p0 [sflag:s0], s1  }
0x48: {  	s1 =	ssub.s32 @!p0 $0x0, s1;
	[sflag:s0] =	ssyncset.done @!p0 $0x0  }
0x49: {  	[sflag:s0] =	ssyncadd.s32 @!p0 s1  }
0x4a: {  	[bflag:$0x3] =	sbarrier.arrive $0xFFFF  }
0x4b: {  	_ =	shalt  }

</sc_bundles>
